<compile_context>
chip_gen: v7x
topology: tpu7x:2x2x1
jax: 0.10.2.dev20260603
libtpu: 0.0.44.dev20260713+nightly
codegen_flags: <defaults>
</compile_context>

<pallas_src>
import functools

import jax
import jax.numpy as jnp
from jax import lax
from jax.experimental import pallas as pl
from jax.experimental.pallas import tpu as pltpu
from jax.experimental.pallas import tpu_sc as plsc

_B = 16384
_D_TAB = 56
_D_OUT = 64
_BLK = 8
_K = 16
_F = 4


@functools.cache
def _make_sc_kernel():
    info = plsc.get_sparse_core_info()
    nw = info.num_cores * info.num_subcores
    b_per_w = _B // nw
    n_ch = b_per_w // _K
    mesh = plsc.VectorSubcoreMesh(core_axis_name="c", subcore_axis_name="s")

    @functools.partial(
        pl.kernel,
        mesh=mesh,
        out_type=jax.ShapeDtypeStruct((_B, _D_OUT), jnp.float32),
        scratch_types=[
            pltpu.VMEM((b_per_w,), jnp.int32),
            pltpu.VMEM((_K, _BLK, _D_TAB), jnp.float32),
            pltpu.VMEM((b_per_w, _D_OUT), jnp.float32),
            pltpu.VMEM((16,), jnp.float32),
            pltpu.VMEM_SHARED((info.num_subcores, b_per_w), jnp.int32),
            pltpu.SMEM((b_per_w,), jnp.int32),
            [pltpu.SemaphoreType.DMA] * _F,
        ],
        compiler_params=pltpu.CompilerParams(use_tc_tiling_on_sc=True),
    )
    def k(
        x_hbm, table_hbm, tail_hbm, out_hbm,
        idx_v, raw_v, rows_v, tail_v, idx_sh, idx_s, sems,
    ):
        wid = lax.axis_index("s") * info.num_cores + lax.axis_index("c")
        base = wid * b_per_w

        sid = lax.axis_index("s")
        pltpu.sync_copy(x_hbm.at[pl.ds(base, b_per_w)], idx_v)
        pltpu.sync_copy(idx_v, idx_sh.at[sid])
        pltpu.sync_copy(idx_sh.at[sid], idx_s)
        pltpu.sync_copy(tail_hbm, tail_v)
        v_tail = tail_v[...]

        def chunk(c, carry):
            r0 = c * _K
            for g in range(_K // _F):
                copies = []
                for f in range(_F):
                    j = g * _F + f
                    i = idx_s[r0 + j]
                    copies.append(
                        pltpu.async_copy(
                            table_hbm.at[pl.ds(i // _BLK, 1), pl.ds(i % _BLK, 1)],
                            raw_v.at[pl.ds(j, 1), pl.ds(0, 1)],
                            sems[f],
                        )
                    )
                for cp in copies:
                    cp.wait()

            def body(j, cc):
                r = r0 + j
                rows_v[r, pl.ds(48, 16)] = v_tail
                rows_v[r, pl.ds(0, 16)] = raw_v[j, 0, pl.ds(0, 16)]
                rows_v[r, pl.ds(16, 16)] = raw_v[j, 0, pl.ds(16, 16)]
                rows_v[r, pl.ds(32, 16)] = raw_v[j, 0, pl.ds(32, 16)]
                rows_v[r, pl.ds(40, 16)] = raw_v[j, 0, pl.ds(40, 16)]
                return cc

            lax.fori_loop(0, _K, body, 0)
            return carry

        lax.fori_loop(0, n_ch, chunk, 0, unroll=False)

        pltpu.sync_copy(rows_v, out_hbm.at[pl.ds(base, b_per_w)])

    return k


def kernel(x, table, shared):
    table3 = jnp.reshape(table, (table.shape[0] // _BLK, _BLK, _D_TAB))
    tail16 = jnp.tile(jnp.reshape(shared, (_D_OUT - _D_TAB,)), 2)
    out = _make_sc_kernel()(x.astype(jnp.int32), table3, tail16)
    return out[:, None, :]

# --- scband reference (transcript-rebuilt; emitter-appended) ---
"""Pipeline reference for scband-shared-embedding-12171937316876 (READ-ONLY COPY).

The authoritative reference and input builder live on the scoring server;
editing this copy changes nothing except your own understanding.
"""

import jax, jax.numpy as jnp
import numpy as np

NUM_EMBEDDINGS = 1000000
EMBEDDING_DIM = 64
SHARED_EMBED_DIV = 8
SHARED_DIM = EMBEDDING_DIM // SHARED_EMBED_DIV  # 8
EMBED_DIM = EMBEDDING_DIM - SHARED_DIM           # 56
BATCH = 16384

def _trunc_normal(key, shape, std=0.01):
    # approximation matching torch: normal().fmod_(2).mul_(std)
    x = jax.random.normal(key, shape, dtype=jnp.float32)
    x = jnp.fmod(x, 2.0) * std
    return x

def setup_inputs(seed: int = 0) -> dict:
    key = jax.random.key(seed)
    k1, k2, k3 = jax.random.split(key, 3)
    x = jax.random.randint(k1, (BATCH,), 0, NUM_EMBEDDINGS, dtype=jnp.int64 if jax.config.jax_enable_x64 else jnp.int32)
    table = _trunc_normal(k2, (NUM_EMBEDDINGS, EMBED_DIM), std=0.01)
    shared = _trunc_normal(k3, (1, 1, SHARED_DIM), std=0.01)
    return {"x": x, "table": table, "shared": shared}

def reference(x, table, shared):
    # embedding lookup -> [B, EMBED_DIM], then unsqueeze(1) -> [B, 1, EMBED_DIM]
    out = jnp.take(table, x, axis=0)[:, None, :]
    # expand shared to [B, 1, SHARED_DIM] and concat along last dim
    shared_exp = jnp.broadcast_to(shared, (out.shape[0], 1, shared.shape[-1]))
    out = jnp.concatenate((out, shared_exp), axis=-1)
    return out

if __name__ == "__main__":
    import jax
    _d = setup_inputs()
    print(jax.jit(kernel)(*tuple(_d.values())))

</pallas_src>

<mosaic_0001>
#map = affine_map<(d0, d1) -> (0)>
#map1 = affine_map<(d0, d1) -> (0, 0, 0)>
#map2 = affine_map<(d0, d1) -> (0, 0)>
module attributes {stable_mosaic.version = 14 : i64} {
  func.func @k(%arg0: i32, %arg1: i32, %arg2: memref<16384xi32, #tpu.memory_space<hbm>>, %arg3: memref<125000x8x56xf32, #tpu.memory_space<hbm>>, %arg4: memref<16xf32, #tpu.memory_space<hbm>>, %arg5: memref<16384x64xf32, #tpu.memory_space<hbm>>, %arg6: memref<512xi32, #tpu.memory_space<vmem>>, %arg7: memref<16x8x56xf32, #tpu.memory_space<vmem>>, %arg8: memref<512x64xf32, #tpu.memory_space<vmem>>, %arg9: memref<16xf32, #tpu.memory_space<vmem>>, %arg10: memref<16x512xi32, #tpu.memory_space<vmem_shared>>, %arg11: memref<512xi32, #tpu.memory_space<smem>>, %arg12: memref<!tpu.dma_semaphore, #tpu.memory_space<semaphore_mem>>, %arg13: memref<!tpu.dma_semaphore, #tpu.memory_space<semaphore_mem>>, %arg14: memref<!tpu.dma_semaphore, #tpu.memory_space<semaphore_mem>>, %arg15: memref<!tpu.dma_semaphore, #tpu.memory_space<semaphore_mem>>) attributes {dimension_semantics = [#tpu.dimension_semantics<core_parallel>, #tpu.dimension_semantics<subcore_parallel>], iteration_bounds = array<i64: 2, 16>, scalar_prefetch = 0 : i64, scratch_operands = 10 : i64, tpu.core_type = #tpu.core_type<sc_vector_subcore>, window_params = [{transform_indices = #map}, {transform_indices = #map1}, {transform_indices = #map}, {transform_indices = #map2}]} {
    %mul3A = arith.constant 2 : i32
    %mul3A_0 = arith.muli %arg1, %mul3A : i32
    %add3A = arith.addi %mul3A_0, %arg0 : i32
    %mul3A_1 = arith.constant 512 : i32
    %mul3A_2 = arith.muli %add3A, %mul3A_1 : i32
    "tpu.region"() ({
      %run_scoped3A = tpu.sem_alloc : memref<!tpu.dma_semaphore, #tpu.memory_space<semaphore_mem>>
      %dma_start3A = tpu.memref_slice %arg2[%mul3A_2] : memref<16384xi32, #tpu.memory_space<hbm>> -> memref<512xi32, #tpu.memory_space<hbm>>
      %dma_start3A_10 = tpu.memref_slice %arg2[%mul3A_2] : memref<16384xi32, #tpu.memory_space<hbm>> -> memref<512xi32, #tpu.memory_space<hbm>>
      tpu.enqueue_dma source(%dma_start3A_10 : memref<512xi32, #tpu.memory_space<hbm>>) target(%arg6 : memref<512xi32, #tpu.memory_space<vmem>>) target_semaphore(%run_scoped3A : memref<!tpu.dma_semaphore, #tpu.memory_space<semaphore_mem>>)
      %dma_wait3A = tpu.memref_slice %arg2[%mul3A_2] : memref<16384xi32, #tpu.memory_space<hbm>> -> memref<512xi32, #tpu.memory_space<hbm>>
      %dma_wait3A_11 = tpu.memref_slice %arg2[%mul3A_2] : memref<16384xi32, #tpu.memory_space<hbm>> -> memref<512xi32, #tpu.memory_space<hbm>>
      tpu.wait_dma2 semaphore(%run_scoped3A : memref<!tpu.dma_semaphore, #tpu.memory_space<semaphore_mem>>) src(%dma_wait3A_11 : memref<512xi32, #tpu.memory_space<hbm>>) dst(%arg6 : memref<512xi32, #tpu.memory_space<vmem>>)
      tpu.yield
    }) : () -> ()
    "tpu.region"() ({
      %run_scoped3A = tpu.sem_alloc : memref<!tpu.dma_semaphore, #tpu.memory_space<semaphore_mem>>
      %dma_start3A = arith.constant 0 : i32
      %dma_start3A_10 = tpu.memref_slice %arg10[%arg1, %dma_start3A] : memref<16x512xi32, #tpu.memory_space<vmem_shared>> -> memref<1x512xi32, #tpu.memory_space<vmem_shared>>
      %dma_start3A_11 = tpu.memref_squeeze %dma_start3A_10 : memref<1x512xi32, #tpu.memory_space<vmem_shared>> -> memref<512xi32, #tpu.memory_space<vmem_shared>>
      %dma_start3A_12 = arith.constant 0 : i32
      %dma_start3A_13 = tpu.memref_slice %arg10[%arg1, %dma_start3A_12] : memref<16x512xi32, #tpu.memory_space<vmem_shared>> -> memref<1x512xi32, #tpu.memory_space<vmem_shared>>
      %dma_start3A_14 = tpu.memref_squeeze %dma_start3A_13 : memref<1x512xi32, #tpu.memory_space<vmem_shared>> -> memref<512xi32, #tpu.memory_space<vmem_shared>>
      tpu.enqueue_dma source(%arg6 : memref<512xi32, #tpu.memory_space<vmem>>) target(%dma_start3A_14 : memref<512xi32, #tpu.memory_space<vmem_shared>>) target_semaphore(%run_scoped3A : memref<!tpu.dma_semaphore, #tpu.memory_space<semaphore_mem>>)
      %dma_wait3A = arith.constant 0 : i32
      %dma_wait3A_15 = tpu.memref_slice %arg10[%arg1, %dma_wait3A] : memref<16x512xi32, #tpu.memory_space<vmem_shared>> -> memref<1x512xi32, #tpu.memory_space<vmem_shared>>
      %dma_wait3A_16 = tpu.memref_squeeze %dma_wait3A_15 : memref<1x512xi32, #tpu.memory_space<vmem_shared>> -> memref<512xi32, #tpu.memory_space<vmem_shared>>
      %dma_wait3A_17 = arith.constant 0 : i32
      %dma_wait3A_18 = tpu.memref_slice %arg10[%arg1, %dma_wait3A_17] : memref<16x512xi32, #tpu.memory_space<vmem_shared>> -> memref<1x512xi32, #tpu.memory_space<vmem_shared>>
      %dma_wait3A_19 = tpu.memref_squeeze %dma_wait3A_18 : memref<1x512xi32, #tpu.memory_space<vmem_shared>> -> memref<512xi32, #tpu.memory_space<vmem_shared>>
      tpu.wait_dma2 semaphore(%run_scoped3A : memref<!tpu.dma_semaphore, #tpu.memory_space<semaphore_mem>>) src(%arg6 : memref<512xi32, #tpu.memory_space<vmem>>) dst(%dma_wait3A_19 : memref<512xi32, #tpu.memory_space<vmem_shared>>)
      tpu.yield
    }) : () -> ()
    "tpu.region"() ({
      %run_scoped3A = tpu.sem_alloc : memref<!tpu.dma_semaphore, #tpu.memory_space<semaphore_mem>>
      %dma_start3A = arith.constant 0 : i32
      %dma_start3A_10 = tpu.memref_slice %arg10[%arg1, %dma_start3A] : memref<16x512xi32, #tpu.memory_space<vmem_shared>> -> memref<1x512xi32, #tpu.memory_space<vmem_shared>>
      %dma_start3A_11 = tpu.memref_squeeze %dma_start3A_10 : memref<1x512xi32, #tpu.memory_space<vmem_shared>> -> memref<512xi32, #tpu.memory_space<vmem_shared>>
      tpu.enqueue_dma source(%dma_start3A_11 : memref<512xi32, #tpu.memory_space<vmem_shared>>) target(%arg11 : memref<512xi32, #tpu.memory_space<smem>>) target_semaphore(%run_scoped3A : memref<!tpu.dma_semaphore, #tpu.memory_space<semaphore_mem>>)
      %dma_wait3A = arith.constant 0 : i32
      %dma_wait3A_12 = tpu.memref_slice %arg10[%arg1, %dma_wait3A] : memref<16x512xi32, #tpu.memory_space<vmem_shared>> -> memref<1x512xi32, #tpu.memory_space<vmem_shared>>
      %dma_wait3A_13 = tpu.memref_squeeze %dma_wait3A_12 : memref<1x512xi32, #tpu.memory_space<vmem_shared>> -> memref<512xi32, #tpu.memory_space<vmem_shared>>
      tpu.wait_dma2 semaphore(%run_scoped3A : memref<!tpu.dma_semaphore, #tpu.memory_space<semaphore_mem>>) src(%dma_wait3A_13 : memref<512xi32, #tpu.memory_space<vmem_shared>>) dst(%arg11 : memref<512xi32, #tpu.memory_space<smem>>)
      tpu.yield
    }) : () -> ()
    "tpu.region"() ({
      %run_scoped3A = tpu.sem_alloc : memref<!tpu.dma_semaphore, #tpu.memory_space<semaphore_mem>>
      tpu.enqueue_dma source(%arg4 : memref<16xf32, #tpu.memory_space<hbm>>) target(%arg9 : memref<16xf32, #tpu.memory_space<vmem>>) target_semaphore(%run_scoped3A : memref<!tpu.dma_semaphore, #tpu.memory_space<semaphore_mem>>)
      tpu.wait_dma2 semaphore(%run_scoped3A : memref<!tpu.dma_semaphore, #tpu.memory_space<semaphore_mem>>) src(%arg4 : memref<16xf32, #tpu.memory_space<hbm>>) dst(%arg9 : memref<16xf32, #tpu.memory_space<vmem>>)
      tpu.yield
    }) : () -> ()
    %get3A = arith.constant 0 : index
    %get3A_3 = tpu.vector_load %arg9[%get3A] {strides = array<i32>} : memref<16xf32, #tpu.memory_space<vmem>>, vector<16xf32>,
    %get3A_4 = vector.shape_cast %get3A_3 : vector<16xf32> to vector<16xf32>
    %scan3A = arith.constant 0 : i32
    %scan3A_5 = arith.constant 0 : i32
    %scan3A_6 = arith.constant 32 : i32
    %scan3A_7 = arith.addi %scan3A_5, %scan3A_6 : i32
    %scan3A_8 = arith.constant 1 : i32
    scf.for %scan3A_10 = %scan3A_5 to %scan3A_7 step %scan3A_8  : i32 {
      %mul3A_11 = arith.constant 16 : i32
      %mul3A_12 = arith.muli %scan3A_10, %mul3A_11 : i32
      %add3A_13 = arith.constant 0 : i32
      %add3A_14 = arith.addi %mul3A_12, %add3A_13 : i32
      %get3A_15 = arith.index_cast %add3A_14 : i32 to index
      %get3A_16 = memref.load %arg11[%get3A_15] : memref<512xi32, #tpu.memory_space<smem>>
      %jit3A = arith.constant 8 : i32
      %div3A = arith.divsi %get3A_16, %jit3A : i32
      %sign3A = arith.constant 0 : i32
      %sign3A_17 = arith.cmpi sgt, %get3A_16, %sign3A : i32
      %sign3A_18 = arith.extui %sign3A_17 : i1 to i32
      %sign3A_19 = arith.constant 0 : i32
      %sign3A_20 = arith.cmpi slt, %get3A_16, %sign3A_19 : i32
      %sign3A_21 = arith.extui %sign3A_20 : i1 to i32
      %sign3A_22 = arith.subi %sign3A_18, %sign3A_21 : i32
      %sign3A_23 = arith.constant 0 : i32
      %sign3A_24 = arith.cmpi sgt, %jit3A, %sign3A_23 : i32
      %sign3A_25 = arith.extui %sign3A_24 : i1 to i32
      %sign3A_26 = arith.constant 0 : i32
      %sign3A_27 = arith.cmpi slt, %jit3A, %sign3A_26 : i32
      %sign3A_28 = arith.extui %sign3A_27 : i1 to i32
      %sign3A_29 = arith.subi %sign3A_25, %sign3A_28 : i32
      %ne3A = arith.cmpi ne, %sign3A_22, %sign3A_29 : i32
      %rem3A = arith.remsi %get3A_16, %jit3A : i32
      %ne3A_30 = arith.constant 0 : i32
      %ne3A_31 = arith.cmpi ne, %rem3A, %ne3A_30 : i32
      %and3A = arith.andi %ne3A, %ne3A_31 : i1
      %sub3A = arith.constant 1 : i32
      %sub3A_32 = arith.subi %div3A, %sub3A : i32
      %select_n3A = arith.select %and3A, %sub3A_32, %div3A : i32
      %jit3A_33 = arith.constant 8 : i32
      %eq3A = arith.constant 0 : i32
      %eq3A_34 = arith.cmpi eq, %jit3A_33, %eq3A : i32
      %jit3A_35 = arith.constant 1 : i32
      %select_n3A_36 = arith.select %eq3A_34, %jit3A_35, %jit3A_33 : i32
      %rem3A_37 = arith.remsi %get3A_16, %select_n3A_36 : i32
      %ne3A_38 = arith.constant 0 : i32
      %ne3A_39 = arith.cmpi ne, %rem3A_37, %ne3A_38 : i32
      %lt3A = arith.constant 0 : i32
      %lt3A_40 = arith.cmpi slt, %rem3A_37, %lt3A : i32
      %lt3A_41 = arith.constant 0 : i32
      %lt3A_42 = arith.cmpi slt, %select_n3A_36, %lt3A_41 : i32
      %ne3A_43 = arith.xori %lt3A_40, %lt3A_42 : i1
      %and3A_44 = arith.andi %ne3A_43, %ne3A_39 : i1
      %add3A_45 = arith.addi %rem3A_37, %select_n3A_36 : i32
      %select_n3A_46 = arith.select %and3A_44, %add3A_45, %rem3A_37 : i32
      %dma_start3A = arith.constant 0 : i32
      %dma_start3A_47 = arith.constant 0 : i32
      %dma_start3A_48 = arith.constant 0 : i32
      %dma_start3A_49 = tpu.memref_slice %arg7[%dma_start3A, %dma_start3A_47, %dma_start3A_48] : memref<16x8x56xf32, #tpu.memory_space<vmem>> -> memref<1x1x56xf32, #tpu.memory_space<vmem>>
      %dma_start3A_50 = arith.constant 0 : i32
      %dma_start3A_51 = tpu.memref_slice %arg3[%select_n3A, %select_n3A_46, %dma_start3A_50] : memref<125000x8x56xf32, #tpu.memory_space<hbm>> -> memref<1x1x56xf32, #tpu.memory_space<hbm>>
      %dma_start3A_52 = arith.constant 0 : i32
      %dma_start3A_53 = arith.constant 0 : i32
      %dma_start3A_54 = arith.constant 0 : i32
      %dma_start3A_55 = tpu.memref_slice %arg7[%dma_start3A_52, %dma_start3A_53, %dma_start3A_54] : memref<16x8x56xf32, #tpu.memory_space<vmem>> -> memref<1x1x56xf32, #tpu.memory_space<vmem>>
      %dma_start3A_56 = arith.constant 0 : i32
      %dma_start3A_57 = tpu.memref_slice %arg3[%select_n3A, %select_n3A_46, %dma_start3A_56] : memref<125000x8x56xf32, #tpu.memory_space<hbm>> -> memref<1x1x56xf32, #tpu.memory_space<hbm>>
      tpu.enqueue_dma source(%dma_start3A_57 : memref<1x1x56xf32, #tpu.memory_space<hbm>>) target(%dma_start3A_55 : memref<1x1x56xf32, #tpu.memory_space<vmem>>) target_semaphore(%arg12 : memref<!tpu.dma_semaphore, #tpu.memory_space<semaphore_mem>>)
      %add3A_58 = arith.constant 1 : i32
      %add3A_59 = arith.addi %mul3A_12, %add3A_58 : i32
      %get3A_60 = arith.index_cast %add3A_59 : i32 to index
      %get3A_61 = memref.load %arg11[%get3A_60] : memref<512xi32, #tpu.memory_space<smem>>
      %jit3A_62 = arith.constant 8 : i32
      %div3A_63 = arith.divsi %get3A_61, %jit3A_62 : i32
      %sign3A_64 = arith.constant 0 : i32
      %sign3A_65 = arith.cmpi sgt, %get3A_61, %sign3A_64 : i32
      %sign3A_66 = arith.extui %sign3A_65 : i1 to i32
      %sign3A_67 = arith.constant 0 : i32
      %sign3A_68 = arith.cmpi slt, %get3A_61, %sign3A_67 : i32
      %sign3A_69 = arith.extui %sign3A_68 : i1 to i32
      %sign3A_70 = arith.subi %sign3A_66, %sign3A_69 : i32
      %sign3A_71 = arith.constant 0 : i32
      %sign3A_72 = arith.cmpi sgt, %jit3A_62, %sign3A_71 : i32
      %sign3A_73 = arith.extui %sign3A_72 : i1 to i32
      %sign3A_74 = arith.constant 0 : i32
      %sign3A_75 = arith.cmpi slt, %jit3A_62, %sign3A_74 : i32
      %sign3A_76 = arith.extui %sign3A_75 : i1 to i32
      %sign3A_77 = arith.subi %sign3A_73, %sign3A_76 : i32
      %ne3A_78 = arith.cmpi ne, %sign3A_70, %sign3A_77 : i32
      %rem3A_79 = arith.remsi %get3A_61, %jit3A_62 : i32
      %ne3A_80 = arith.constant 0 : i32
      %ne3A_81 = arith.cmpi ne, %rem3A_79, %ne3A_80 : i32
      %and3A_82 = arith.andi %ne3A_78, %ne3A_81 : i1
      %sub3A_83 = arith.constant 1 : i32
      %sub3A_84 = arith.subi %div3A_63, %sub3A_83 : i32
      %select_n3A_85 = arith.select %and3A_82, %sub3A_84, %div3A_63 : i32
      %jit3A_86 = arith.constant 8 : i32
      %eq3A_87 = arith.constant 0 : i32
      %eq3A_88 = arith.cmpi eq, %jit3A_86, %eq3A_87 : i32
      %jit3A_89 = arith.constant 1 : i32
      %select_n3A_90 = arith.select %eq3A_88, %jit3A_89, %jit3A_86 : i32
      %rem3A_91 = arith.remsi %get3A_61, %select_n3A_90 : i32
      %ne3A_92 = arith.constant 0 : i32
      %ne3A_93 = arith.cmpi ne, %rem3A_91, %ne3A_92 : i32
      %lt3A_94 = arith.constant 0 : i32
      %lt3A_95 = arith.cmpi slt, %rem3A_91, %lt3A_94 : i32
      %lt3A_96 = arith.constant 0 : i32
      %lt3A_97 = arith.cmpi slt, %select_n3A_90, %lt3A_96 : i32
      %ne3A_98 = arith.xori %lt3A_95, %lt3A_97 : i1
      %and3A_99 = arith.andi %ne3A_98, %ne3A_93 : i1
      %add3A_100 = arith.addi %rem3A_91, %select_n3A_90 : i32
      %select_n3A_101 = arith.select %and3A_99, %add3A_100, %rem3A_91 : i32
      %dma_start3A_102 = arith.constant 1 : i32
      %dma_start3A_103 = arith.constant 0 : i32
      %dma_start3A_104 = arith.constant 0 : i32
      %dma_start3A_105 = tpu.memref_slice %arg7[%dma_start3A_102, %dma_start3A_103, %dma_start3A_104] : memref<16x8x56xf32, #tpu.memory_space<vmem>> -> memref<1x1x56xf32, #tpu.memory_space<vmem>>
      %dma_start3A_106 = arith.constant 0 : i32
      %dma_start3A_107 = tpu.memref_slice %arg3[%select_n3A_85, %select_n3A_101, %dma_start3A_106] : memref<125000x8x56xf32, #tpu.memory_space<hbm>> -> memref<1x1x56xf32, #tpu.memory_space<hbm>>
      %dma_start3A_108 = arith.constant 1 : i32
      %dma_start3A_109 = arith.constant 0 : i32
      %dma_start3A_110 = arith.constant 0 : i32
      %dma_start3A_111 = tpu.memref_slice %arg7[%dma_start3A_108, %dma_start3A_109, %dma_start3A_110] : memref<16x8x56xf32, #tpu.memory_space<vmem>> -> memref<1x1x56xf32, #tpu.memory_space<vmem>>
      %dma_start3A_112 = arith.constant 0 : i32
      %dma_start3A_113 = tpu.memref_slice %arg3[%select_n3A_85, %select_n3A_101, %dma_start3A_112] : memref<125000x8x56xf32, #tpu.memory_space<hbm>> -> memref<1x1x56xf32, #tpu.memory_space<hbm>>
      tpu.enqueue_dma source(%dma_start3A_113 : memref<1x1x56xf32, #tpu.memory_space<hbm>>) target(%dma_start3A_111 : memref<1x1x56xf32, #tpu.memory_space<vmem>>) target_semaphore(%arg13 : memref<!tpu.dma_semaphore, #tpu.memory_space<semaphore_mem>>)
      %add3A_114 = arith.constant 2 : i32
      %add3A_115 = arith.addi %mul3A_12, %add3A_114 : i32
      %get3A_116 = arith.index_cast %add3A_115 : i32 to index
      %get3A_117 = memref.load %arg11[%get3A_116] : memref<512xi32, #tpu.memory_space<smem>>
      %jit3A_118 = arith.constant 8 : i32
      %div3A_119 = arith.divsi %get3A_117, %jit3A_118 : i32
      %sign3A_120 = arith.constant 0 : i32
      %sign3A_121 = arith.cmpi sgt, %get3A_117, %sign3A_120 : i32
      %sign3A_122 = arith.extui %sign3A_121 : i1 to i32
      %sign3A_123 = arith.constant 0 : i32
      %sign3A_124 = arith.cmpi slt, %get3A_117, %sign3A_123 : i32
      %sign3A_125 = arith.extui %sign3A_124 : i1 to i32
      %sign3A_126 = arith.subi %sign3A_122, %sign3A_125 : i32
      %sign3A_127 = arith.constant 0 : i32
      %sign3A_128 = arith.cmpi sgt, %jit3A_118, %sign3A_127 : i32
      %sign3A_129 = arith.extui %sign3A_128 : i1 to i32
      %sign3A_130 = arith.constant 0 : i32
      %sign3A_131 = arith.cmpi slt, %jit3A_118, %sign3A_130 : i32
      %sign3A_132 = arith.extui %sign3A_131 : i1 to i32
      %sign3A_133 = arith.subi %sign3A_129, %sign3A_132 : i32
      %ne3A_134 = arith.cmpi ne, %sign3A_126, %sign3A_133 : i32
      %rem3A_135 = arith.remsi %get3A_117, %jit3A_118 : i32
      %ne3A_136 = arith.constant 0 : i32
      %ne3A_137 = arith.cmpi ne, %rem3A_135, %ne3A_136 : i32
      %and3A_138 = arith.andi %ne3A_134, %ne3A_137 : i1
      %sub3A_139 = arith.constant 1 : i32
      %sub3A_140 = arith.subi %div3A_119, %sub3A_139 : i32
      %select_n3A_141 = arith.select %and3A_138, %sub3A_140, %div3A_119 : i32
      %jit3A_142 = arith.constant 8 : i32
      %eq3A_143 = arith.constant 0 : i32
      %eq3A_144 = arith.cmpi eq, %jit3A_142, %eq3A_143 : i32
      %jit3A_145 = arith.constant 1 : i32
      %select_n3A_146 = arith.select %eq3A_144, %jit3A_145, %jit3A_142 : i32
      %rem3A_147 = arith.remsi %get3A_117, %select_n3A_146 : i32
      %ne3A_148 = arith.constant 0 : i32
      %ne3A_149 = arith.cmpi ne, %rem3A_147, %ne3A_148 : i32
      %lt3A_150 = arith.constant 0 : i32
      %lt3A_151 = arith.cmpi slt, %rem3A_147, %lt3A_150 : i32
      %lt3A_152 = arith.constant 0 : i32
      %lt3A_153 = arith.cmpi slt, %select_n3A_146, %lt3A_152 : i32
      %ne3A_154 = arith.xori %lt3A_151, %lt3A_153 : i1
      %and3A_155 = arith.andi %ne3A_154, %ne3A_149 : i1
      %add3A_156 = arith.addi %rem3A_147, %select_n3A_146 : i32
      %select_n3A_157 = arith.select %and3A_155, %add3A_156, %rem3A_147 : i32
      %dma_start3A_158 = arith.constant 2 : i32
      %dma_start3A_159 = arith.constant 0 : i32
      %dma_start3A_160 = arith.constant 0 : i32
      %dma_start3A_161 = tpu.memref_slice %arg7[%dma_start3A_158, %dma_start3A_159, %dma_start3A_160] : memref<16x8x56xf32, #tpu.memory_space<vmem>> -> memref<1x1x56xf32, #tpu.memory_space<vmem>>
      %dma_start3A_162 = arith.constant 0 : i32
      %dma_start3A_163 = tpu.memref_slice %arg3[%select_n3A_141, %select_n3A_157, %dma_start3A_162] : memref<125000x8x56xf32, #tpu.memory_space<hbm>> -> memref<1x1x56xf32, #tpu.memory_space<hbm>>
      %dma_start3A_164 = arith.constant 2 : i32
      %dma_start3A_165 = arith.constant 0 : i32
      %dma_start3A_166 = arith.constant 0 : i32
      %dma_start3A_167 = tpu.memref_slice %arg7[%dma_start3A_164, %dma_start3A_165, %dma_start3A_166] : memref<16x8x56xf32, #tpu.memory_space<vmem>> -> memref<1x1x56xf32, #tpu.memory_space<vmem>>
      %dma_start3A_168 = arith.constant 0 : i32
      %dma_start3A_169 = tpu.memref_slice %arg3[%select_n3A_141, %select_n3A_157, %dma_start3A_168] : memref<125000x8x56xf32, #tpu.memory_space<hbm>> -> memref<1x1x56xf32, #tpu.memory_space<hbm>>
      tpu.enqueue_dma source(%dma_start3A_169 : memref<1x1x56xf32, #tpu.memory_space<hbm>>) target(%dma_start3A_167 : memref<1x1x56xf32, #tpu.memory_space<vmem>>) target_semaphore(%arg14 : memref<!tpu.dma_semaphore, #tpu.memory_space<semaphore_mem>>)
      %add3A_170 = arith.constant 3 : i32
      %add3A_171 = arith.addi %mul3A_12, %add3A_170 : i32
      %get3A_172 = arith.index_cast %add3A_171 : i32 to index
      %get3A_173 = memref.load %arg11[%get3A_172] : memref<512xi32, #tpu.memory_space<smem>>
      %jit3A_174 = arith.constant 8 : i32
      %div3A_175 = arith.divsi %get3A_173, %jit3A_174 : i32
      %sign3A_176 = arith.constant 0 : i32
      %sign3A_177 = arith.cmpi sgt, %get3A_173, %sign3A_176 : i32
      %sign3A_178 = arith.extui %sign3A_177 : i1 to i32
      %sign3A_179 = arith.constant 0 : i32
      %sign3A_180 = arith.cmpi slt, %get3A_173, %sign3A_179 : i32
      %sign3A_181 = arith.extui %sign3A_180 : i1 to i32
      %sign3A_182 = arith.subi %sign3A_178, %sign3A_181 : i32
      %sign3A_183 = arith.constant 0 : i32
      %sign3A_184 = arith.cmpi sgt, %jit3A_174, %sign3A_183 : i32
      %sign3A_185 = arith.extui %sign3A_184 : i1 to i32
      %sign3A_186 = arith.constant 0 : i32
      %sign3A_187 = arith.cmpi slt, %jit3A_174, %sign3A_186 : i32
      %sign3A_188 = arith.extui %sign3A_187 : i1 to i32
      %sign3A_189 = arith.subi %sign3A_185, %sign3A_188 : i32
      %ne3A_190 = arith.cmpi ne, %sign3A_182, %sign3A_189 : i32
      %rem3A_191 = arith.remsi %get3A_173, %jit3A_174 : i32
      %ne3A_192 = arith.constant 0 : i32
      %ne3A_193 = arith.cmpi ne, %rem3A_191, %ne3A_192 : i32
      %and3A_194 = arith.andi %ne3A_190, %ne3A_193 : i1
      %sub3A_195 = arith.constant 1 : i32
      %sub3A_196 = arith.subi %div3A_175, %sub3A_195 : i32
      %select_n3A_197 = arith.select %and3A_194, %sub3A_196, %div3A_175 : i32
      %jit3A_198 = arith.constant 8 : i32
      %eq3A_199 = arith.constant 0 : i32
      %eq3A_200 = arith.cmpi eq, %jit3A_198, %eq3A_199 : i32
      %jit3A_201 = arith.constant 1 : i32
      %select_n3A_202 = arith.select %eq3A_200, %jit3A_201, %jit3A_198 : i32
      %rem3A_203 = arith.remsi %get3A_173, %select_n3A_202 : i32
      %ne3A_204 = arith.constant 0 : i32
      %ne3A_205 = arith.cmpi ne, %rem3A_203, %ne3A_204 : i32
      %lt3A_206 = arith.constant 0 : i32
      %lt3A_207 = arith.cmpi slt, %rem3A_203, %lt3A_206 : i32
      %lt3A_208 = arith.constant 0 : i32
      %lt3A_209 = arith.cmpi slt, %select_n3A_202, %lt3A_208 : i32
      %ne3A_210 = arith.xori %lt3A_207, %lt3A_209 : i1
      %and3A_211 = arith.andi %ne3A_210, %ne3A_205 : i1
      %add3A_212 = arith.addi %rem3A_203, %select_n3A_202 : i32
      %select_n3A_213 = arith.select %and3A_211, %add3A_212, %rem3A_203 : i32
      %dma_start3A_214 = arith.constant 3 : i32
      %dma_start3A_215 = arith.constant 0 : i32
      %dma_start3A_216 = arith.constant 0 : i32
      %dma_start3A_217 = tpu.memref_slice %arg7[%dma_start3A_214, %dma_start3A_215, %dma_start3A_216] : memref<16x8x56xf32, #tpu.memory_space<vmem>> -> memref<1x1x56xf32, #tpu.memory_space<vmem>>
      %dma_start3A_218 = arith.constant 0 : i32
      %dma_start3A_219 = tpu.memref_slice %arg3[%select_n3A_197, %select_n3A_213, %dma_start3A_218] : memref<125000x8x56xf32, #tpu.memory_space<hbm>> -> memref<1x1x56xf32, #tpu.memory_space<hbm>>
      %dma_start3A_220 = arith.constant 3 : i32
      %dma_start3A_221 = arith.constant 0 : i32
      %dma_start3A_222 = arith.constant 0 : i32
      %dma_start3A_223 = tpu.memref_slice %arg7[%dma_start3A_220, %dma_start3A_221, %dma_start3A_222] : memref<16x8x56xf32, #tpu.memory_space<vmem>> -> memref<1x1x56xf32, #tpu.memory_space<vmem>>
      %dma_start3A_224 = arith.constant 0 : i32
      %dma_start3A_225 = tpu.memref_slice %arg3[%select_n3A_197, %select_n3A_213, %dma_start3A_224] : memref<125000x8x56xf32, #tpu.memory_space<hbm>> -> memref<1x1x56xf32, #tpu.memory_space<hbm>>
      tpu.enqueue_dma source(%dma_start3A_225 : memref<1x1x56xf32, #tpu.memory_space<hbm>>) target(%dma_start3A_223 : memref<1x1x56xf32, #tpu.memory_space<vmem>>) target_semaphore(%arg15 : memref<!tpu.dma_semaphore, #tpu.memory_space<semaphore_mem>>)
      %dma_wait3A = arith.constant 0 : i32
      %dma_wait3A_226 = arith.constant 0 : i32
      %dma_wait3A_227 = arith.constant 0 : i32
      %dma_wait3A_228 = tpu.memref_slice %arg7[%dma_wait3A, %dma_wait3A_226, %dma_wait3A_227] : memref<16x8x56xf32, #tpu.memory_space<vmem>> -> memref<1x1x56xf32, #tpu.memory_space<vmem>>
      %dma_wait3A_229 = arith.constant 0 : i32
      %dma_wait3A_230 = tpu.memref_slice %arg3[%select_n3A, %select_n3A_46, %dma_wait3A_229] : memref<125000x8x56xf32, #tpu.memory_space<hbm>> -> memref<1x1x56xf32, #tpu.memory_space<hbm>>
      %dma_wait3A_231 = arith.constant 0 : i32
      %dma_wait3A_232 = arith.constant 0 : i32
      %dma_wait3A_233 = arith.constant 0 : i32
      %dma_wait3A_234 = tpu.memref_slice %arg7[%dma_wait3A_231, %dma_wait3A_232, %dma_wait3A_233] : memref<16x8x56xf32, #tpu.memory_space<vmem>> -> memref<1x1x56xf32, #tpu.memory_space<vmem>>
      %dma_wait3A_235 = arith.constant 0 : i32
      %dma_wait3A_236 = tpu.memref_slice %arg3[%select_n3A, %select_n3A_46, %dma_wait3A_235] : memref<125000x8x56xf32, #tpu.memory_space<hbm>> -> memref<1x1x56xf32, #tpu.memory_space<hbm>>
      tpu.wait_dma2 semaphore(%arg12 : memref<!tpu.dma_semaphore, #tpu.memory_space<semaphore_mem>>) src(%dma_wait3A_236 : memref<1x1x56xf32, #tpu.memory_space<hbm>>) dst(%dma_wait3A_234 : memref<1x1x56xf32, #tpu.memory_space<vmem>>)
      %dma_wait3A_237 = arith.constant 1 : i32
      %dma_wait3A_238 = arith.constant 0 : i32
      %dma_wait3A_239 = arith.constant 0 : i32
      %dma_wait3A_240 = tpu.memref_slice %arg7[%dma_wait3A_237, %dma_wait3A_238, %dma_wait3A_239] : memref<16x8x56xf32, #tpu.memory_space<vmem>> -> memref<1x1x56xf32, #tpu.memory_space<vmem>>
      %dma_wait3A_241 = arith.constant 0 : i32
      %dma_wait3A_242 = tpu.memref_slice %arg3[%select_n3A_85, %select_n3A_101, %dma_wait3A_241] : memref<125000x8x56xf32, #tpu.memory_space<hbm>> -> memref<1x1x56xf32, #tpu.memory_space<hbm>>
      %dma_wait3A_243 = arith.constant 1 : i32
      %dma_wait3A_244 = arith.constant 0 : i32
      %dma_wait3A_245 = arith.constant 0 : i32
      %dma_wait3A_246 = tpu.memref_slice %arg7[%dma_wait3A_243, %dma_wait3A_244, %dma_wait3A_245] : memref<16x8x56xf32, #tpu.memory_space<vmem>> -> memref<1x1x56xf32, #tpu.memory_space<vmem>>
      %dma_wait3A_247 = arith.constant 0 : i32
      %dma_wait3A_248 = tpu.memref_slice %arg3[%select_n3A_85, %select_n3A_101, %dma_wait3A_247] : memref<125000x8x56xf32, #tpu.memory_space<hbm>> -> memref<1x1x56xf32, #tpu.memory_space<hbm>>
      tpu.wait_dma2 semaphore(%arg13 : memref<!tpu.dma_semaphore, #tpu.memory_space<semaphore_mem>>) src(%dma_wait3A_248 : memref<1x1x56xf32, #tpu.memory_space<hbm>>) dst(%dma_wait3A_246 : memref<1x1x56xf32, #tpu.memory_space<vmem>>)
      %dma_wait3A_249 = arith.constant 2 : i32
      %dma_wait3A_250 = arith.constant 0 : i32
      %dma_wait3A_251 = arith.constant 0 : i32
      %dma_wait3A_252 = tpu.memref_slice %arg7[%dma_wait3A_249, %dma_wait3A_250, %dma_wait3A_251] : memref<16x8x56xf32, #tpu.memory_space<vmem>> -> memref<1x1x56xf32, #tpu.memory_space<vmem>>
      %dma_wait3A_253 = arith.constant 0 : i32
      %dma_wait3A_254 = tpu.memref_slice %arg3[%select_n3A_141, %select_n3A_157, %dma_wait3A_253] : memref<125000x8x56xf32, #tpu.memory_space<hbm>> -> memref<1x1x56xf32, #tpu.memory_space<hbm>>
      %dma_wait3A_255 = arith.constant 2 : i32
      %dma_wait3A_256 = arith.constant 0 : i32
      %dma_wait3A_257 = arith.constant 0 : i32
      %dma_wait3A_258 = tpu.memref_slice %arg7[%dma_wait3A_255, %dma_wait3A_256, %dma_wait3A_257] : memref<16x8x56xf32, #tpu.memory_space<vmem>> -> memref<1x1x56xf32, #tpu.memory_space<vmem>>
      %dma_wait3A_259 = arith.constant 0 : i32
      %dma_wait3A_260 = tpu.memref_slice %arg3[%select_n3A_141, %select_n3A_157, %dma_wait3A_259] : memref<125000x8x56xf32, #tpu.memory_space<hbm>> -> memref<1x1x56xf32, #tpu.memory_space<hbm>>
      tpu.wait_dma2 semaphore(%arg14 : memref<!tpu.dma_semaphore, #tpu.memory_space<semaphore_mem>>) src(%dma_wait3A_260 : memref<1x1x56xf32, #tpu.memory_space<hbm>>) dst(%dma_wait3A_258 : memref<1x1x56xf32, #tpu.memory_space<vmem>>)
      %dma_wait3A_261 = arith.constant 3 : i32
      %dma_wait3A_262 = arith.constant 0 : i32
      %dma_wait3A_263 = arith.constant 0 : i32
      %dma_wait3A_264 = tpu.memref_slice %arg7[%dma_wait3A_261, %dma_wait3A_262, %dma_wait3A_263] : memref<16x8x56xf32, #tpu.memory_space<vmem>> -> memref<1x1x56xf32, #tpu.memory_space<vmem>>
      %dma_wait3A_265 = arith.constant 0 : i32
      %dma_wait3A_266 = tpu.memref_slice %arg3[%select_n3A_197, %select_n3A_213, %dma_wait3A_265] : memref<125000x8x56xf32, #tpu.memory_space<hbm>> -> memref<1x1x56xf32, #tpu.memory_space<hbm>>
      %dma_wait3A_267 = arith.constant 3 : i32
      %dma_wait3A_268 = arith.constant 0 : i32
      %dma_wait3A_269 = arith.constant 0 : i32
      %dma_wait3A_270 = tpu.memref_slice %arg7[%dma_wait3A_267, %dma_wait3A_268, %dma_wait3A_269] : memref<16x8x56xf32, #tpu.memory_space<vmem>> -> memref<1x1x56xf32, #tpu.memory_space<vmem>>
      %dma_wait3A_271 = arith.constant 0 : i32
      %dma_wait3A_272 = tpu.memref_slice %arg3[%select_n3A_197, %select_n3A_213, %dma_wait3A_271] : memref<125000x8x56xf32, #tpu.memory_space<hbm>> -> memref<1x1x56xf32, #tpu.memory_space<hbm>>
      tpu.wait_dma2 semaphore(%arg15 : memref<!tpu.dma_semaphore, #tpu.memory_space<semaphore_mem>>) src(%dma_wait3A_272 : memref<1x1x56xf32, #tpu.memory_space<hbm>>) dst(%dma_wait3A_270 : memref<1x1x56xf32, #tpu.memory_space<vmem>>)
      %add3A_273 = arith.constant 4 : i32
      %add3A_274 = arith.addi %mul3A_12, %add3A_273 : i32
      %get3A_275 = arith.index_cast %add3A_274 : i32 to index
      %get3A_276 = memref.load %arg11[%get3A_275] : memref<512xi32, #tpu.memory_space<smem>>
      %jit3A_277 = arith.constant 8 : i32
      %div3A_278 = arith.divsi %get3A_276, %jit3A_277 : i32
      %sign3A_279 = arith.constant 0 : i32
      %sign3A_280 = arith.cmpi sgt, %get3A_276, %sign3A_279 : i32
      %sign3A_281 = arith.extui %sign3A_280 : i1 to i32
      %sign3A_282 = arith.constant 0 : i32
      %sign3A_283 = arith.cmpi slt, %get3A_276, %sign3A_282 : i32
      %sign3A_284 = arith.extui %sign3A_283 : i1 to i32
      %sign3A_285 = arith.subi %sign3A_281, %sign3A_284 : i32
      %sign3A_286 = arith.constant 0 : i32
      %sign3A_287 = arith.cmpi sgt, %jit3A_277, %sign3A_286 : i32
      %sign3A_288 = arith.extui %sign3A_287 : i1 to i32
      %sign3A_289 = arith.constant 0 : i32
      %sign3A_290 = arith.cmpi slt, %jit3A_277, %sign3A_289 : i32
      %sign3A_291 = arith.extui %sign3A_290 : i1 to i32
      %sign3A_292 = arith.subi %sign3A_288, %sign3A_291 : i32
      %ne3A_293 = arith.cmpi ne, %sign3A_285, %sign3A_292 : i32
      %rem3A_294 = arith.remsi %get3A_276, %jit3A_277 : i32
      %ne3A_295 = arith.constant 0 : i32
      %ne3A_296 = arith.cmpi ne, %rem3A_294, %ne3A_295 : i32
      %and3A_297 = arith.andi %ne3A_293, %ne3A_296 : i1
      %sub3A_298 = arith.constant 1 : i32
      %sub3A_299 = arith.subi %div3A_278, %sub3A_298 : i32
      %select_n3A_300 = arith.select %and3A_297, %sub3A_299, %div3A_278 : i32
      %jit3A_301 = arith.constant 8 : i32
      %eq3A_302 = arith.constant 0 : i32
      %eq3A_303 = arith.cmpi eq, %jit3A_301, %eq3A_302 : i32
      %jit3A_304 = arith.constant 1 : i32
      %select_n3A_305 = arith.select %eq3A_303, %jit3A_304, %jit3A_301 : i32
      %rem3A_306 = arith.remsi %get3A_276, %select_n3A_305 : i32
      %ne3A_307 = arith.constant 0 : i32
      %ne3A_308 = arith.cmpi ne, %rem3A_306, %ne3A_307 : i32
      %lt3A_309 = arith.constant 0 : i32
      %lt3A_310 = arith.cmpi slt, %rem3A_306, %lt3A_309 : i32
      %lt3A_311 = arith.constant 0 : i32
      %lt3A_312 = arith.cmpi slt, %select_n3A_305, %lt3A_311 : i32
      %ne3A_313 = arith.xori %lt3A_310, %lt3A_312 : i1
      %and3A_314 = arith.andi %ne3A_313, %ne3A_308 : i1
      %add3A_315 = arith.addi %rem3A_306, %select_n3A_305 : i32
      %select_n3A_316 = arith.select %and3A_314, %add3A_315, %rem3A_306 : i32
      %dma_start3A_317 = arith.constant 4 : i32
      %dma_start3A_318 = arith.constant 0 : i32
      %dma_start3A_319 = arith.constant 0 : i32
      %dma_start3A_320 = tpu.memref_slice %arg7[%dma_start3A_317, %dma_start3A_318, %dma_start3A_319] : memref<16x8x56xf32, #tpu.memory_space<vmem>> -> memref<1x1x56xf32, #tpu.memory_space<vmem>>
      %dma_start3A_321 = arith.constant 0 : i32
      %dma_start3A_322 = tpu.memref_slice %arg3[%select_n3A_300, %select_n3A_316, %dma_start3A_321] : memref<125000x8x56xf32, #tpu.memory_space<hbm>> -> memref<1x1x56xf32, #tpu.memory_space<hbm>>
      %dma_start3A_323 = arith.constant 4 : i32
      %dma_start3A_324 = arith.constant 0 : i32
      %dma_start3A_325 = arith.constant 0 : i32
      %dma_start3A_326 = tpu.memref_slice %arg7[%dma_start3A_323, %dma_start3A_324, %dma_start3A_325] : memref<16x8x56xf32, #tpu.memory_space<vmem>> -> memref<1x1x56xf32, #tpu.memory_space<vmem>>
      %dma_start3A_327 = arith.constant 0 : i32
      %dma_start3A_328 = tpu.memref_slice %arg3[%select_n3A_300, %select_n3A_316, %dma_start3A_327] : memref<125000x8x56xf32, #tpu.memory_space<hbm>> -> memref<1x1x56xf32, #tpu.memory_space<hbm>>
      tpu.enqueue_dma source(%dma_start3A_328 : memref<1x1x56xf32, #tpu.memory_space<hbm>>) target(%dma_start3A_326 : memref<1x1x56xf32, #tpu.memory_space<vmem>>) target_semaphore(%arg12 : memref<!tpu.dma_semaphore, #tpu.memory_space<semaphore_mem>>)
      %add3A_329 = arith.constant 5 : i32
      %add3A_330 = arith.addi %mul3A_12, %add3A_329 : i32
      %get3A_331 = arith.index_cast %add3A_330 : i32 to index
      %get3A_332 = memref.load %arg11[%get3A_331] : memref<512xi32, #tpu.memory_space<smem>>
      %jit3A_333 = arith.constant 8 : i32
      %div3A_334 = arith.divsi %get3A_332, %jit3A_333 : i32
      %sign3A_335 = arith.constant 0 : i32
      %sign3A_336 = arith.cmpi sgt, %get3A_332, %sign3A_335 : i32
      %sign3A_337 = arith.extui %sign3A_336 : i1 to i32
      %sign3A_338 = arith.constant 0 : i32
      %sign3A_339 = arith.cmpi slt, %get3A_332, %sign3A_338 : i32
      %sign3A_340 = arith.extui %sign3A_339 : i1 to i32
      %sign3A_341 = arith.subi %sign3A_337, %sign3A_340 : i32
      %sign3A_342 = arith.constant 0 : i32
      %sign3A_343 = arith.cmpi sgt, %jit3A_333, %sign3A_342 : i32
      %sign3A_344 = arith.extui %sign3A_343 : i1 to i32
      %sign3A_345 = arith.constant 0 : i32
      %sign3A_346 = arith.cmpi slt, %jit3A_333, %sign3A_345 : i32
      %sign3A_347 = arith.extui %sign3A_346 : i1 to i32
      %sign3A_348 = arith.subi %sign3A_344, %sign3A_347 : i32
      %ne3A_349 = arith.cmpi ne, %sign3A_341, %sign3A_348 : i32
      %rem3A_350 = arith.remsi %get3A_332, %jit3A_333 : i32
      %ne3A_351 = arith.constant 0 : i32
      %ne3A_352 = arith.cmpi ne, %rem3A_350, %ne3A_351 : i32
      %and3A_353 = arith.andi %ne3A_349, %ne3A_352 : i1
      %sub3A_354 = arith.constant 1 : i32
      %sub3A_355 = arith.subi %div3A_334, %sub3A_354 : i32
      %select_n3A_356 = arith.select %and3A_353, %sub3A_355, %div3A_334 : i32
      %jit3A_357 = arith.constant 8 : i32
      %eq3A_358 = arith.constant 0 : i32
      %eq3A_359 = arith.cmpi eq, %jit3A_357, %eq3A_358 : i32
      %jit3A_360 = arith.constant 1 : i32
      %select_n3A_361 = arith.select %eq3A_359, %jit3A_360, %jit3A_357 : i32
      %rem3A_362 = arith.remsi %get3A_332, %select_n3A_361 : i32
      %ne3A_363 = arith.constant 0 : i32
      %ne3A_364 = arith.cmpi ne, %rem3A_362, %ne3A_363 : i32
      %lt3A_365 = arith.constant 0 : i32
      %lt3A_366 = arith.cmpi slt, %rem3A_362, %lt3A_365 : i32
      %lt3A_367 = arith.constant 0 : i32
      %lt3A_368 = arith.cmpi slt, %select_n3A_361, %lt3A_367 : i32
      %ne3A_369 = arith.xori %lt3A_366, %lt3A_368 : i1
      %and3A_370 = arith.andi %ne3A_369, %ne3A_364 : i1
      %add3A_371 = arith.addi %rem3A_362, %select_n3A_361 : i32
      %select_n3A_372 = arith.select %and3A_370, %add3A_371, %rem3A_362 : i32
      %dma_start3A_373 = arith.constant 5 : i32
      %dma_start3A_374 = arith.constant 0 : i32
      %dma_start3A_375 = arith.constant 0 : i32
      %dma_start3A_376 = tpu.memref_slice %arg7[%dma_start3A_373, %dma_start3A_374, %dma_start3A_375] : memref<16x8x56xf32, #tpu.memory_space<vmem>> -> memref<1x1x56xf32, #tpu.memory_space<vmem>>
      %dma_start3A_377 = arith.constant 0 : i32
      %dma_start3A_378 = tpu.memref_slice %arg3[%select_n3A_356, %select_n3A_372, %dma_start3A_377] : memref<125000x8x56xf32, #tpu.memory_space<hbm>> -> memref<1x1x56xf32, #tpu.memory_space<hbm>>
      %dma_start3A_379 = arith.constant 5 : i32
      %dma_start3A_380 = arith.constant 0 : i32
      %dma_start3A_381 = arith.constant 0 : i32
      %dma_start3A_382 = tpu.memref_slice %arg7[%dma_start3A_379, %dma_start3A_380, %dma_start3A_381] : memref<16x8x56xf32, #tpu.memory_space<vmem>> -> memref<1x1x56xf32, #tpu.memory_space<vmem>>
      %dma_start3A_383 = arith.constant 0 : i32
      %dma_start3A_384 = tpu.memref_slice %arg3[%select_n3A_356, %select_n3A_372, %dma_start3A_383] : memref<125000x8x56xf32, #tpu.memory_space<hbm>> -> memref<1x1x56xf32, #tpu.memory_space<hbm>>
      tpu.enqueue_dma source(%dma_start3A_384 : memref<1x1x56xf32, #tpu.memory_space<hbm>>) target(%dma_start3A_382 : memref<1x1x56xf32, #tpu.memory_space<vmem>>) target_semaphore(%arg13 : memref<!tpu.dma_semaphore, #tpu.memory_space<semaphore_mem>>)
      %add3A_385 = arith.constant 6 : i32
      %add3A_386 = arith.addi %mul3A_12, %add3A_385 : i32
      %get3A_387 = arith.index_cast %add3A_386 : i32 to index
      %get3A_388 = memref.load %arg11[%get3A_387] : memref<512xi32, #tpu.memory_space<smem>>
      %jit3A_389 = arith.constant 8 : i32
      %div3A_390 = arith.divsi %get3A_388, %jit3A_389 : i32
      %sign3A_391 = arith.constant 0 : i32
      %sign3A_392 = arith.cmpi sgt, %get3A_388, %sign3A_391 : i32
      %sign3A_393 = arith.extui %sign3A_392 : i1 to i32
      %sign3A_394 = arith.constant 0 : i32
      %sign3A_395 = arith.cmpi slt, %get3A_388, %sign3A_394 : i32
      %sign3A_396 = arith.extui %sign3A_395 : i1 to i32
      %sign3A_397 = arith.subi %sign3A_393, %sign3A_396 : i32
      %sign3A_398 = arith.constant 0 : i32
      %sign3A_399 = arith.cmpi sgt, %jit3A_389, %sign3A_398 : i32
      %sign3A_400 = arith.extui %sign3A_399 : i1 to i32
      %sign3A_401 = arith.constant 0 : i32
      %sign3A_402 = arith.cmpi slt, %jit3A_389, %sign3A_401 : i32
      %sign3A_403 = arith.extui %sign3A_402 : i1 to i32
      %sign3A_404 = arith.subi %sign3A_400, %sign3A_403 : i32
      %ne3A_405 = arith.cmpi ne, %sign3A_397, %sign3A_404 : i32
      %rem3A_406 = arith.remsi %get3A_388, %jit3A_389 : i32
      %ne3A_407 = arith.constant 0 : i32
      %ne3A_408 = arith.cmpi ne, %rem3A_406, %ne3A_407 : i32
      %and3A_409 = arith.andi %ne3A_405, %ne3A_408 : i1
      %sub3A_410 = arith.constant 1 : i32
      %sub3A_411 = arith.subi %div3A_390, %sub3A_410 : i32
      %select_n3A_412 = arith.select %and3A_409, %sub3A_411, %div3A_390 : i32
      %jit3A_413 = arith.constant 8 : i32
      %eq3A_414 = arith.constant 0 : i32
      %eq3A_415 = arith.cmpi eq, %jit3A_413, %eq3A_414 : i32
      %jit3A_416 = arith.constant 1 : i32
      %select_n3A_417 = arith.select %eq3A_415, %jit3A_416, %jit3A_413 : i32
      %rem3A_418 = arith.remsi %get3A_388, %select_n3A_417 : i32
      %ne3A_419 = arith.constant 0 : i32
      %ne3A_420 = arith.cmpi ne, %rem3A_418, %ne3A_419 : i32
      %lt3A_421 = arith.constant 0 : i32
      %lt3A_422 = arith.cmpi slt, %rem3A_418, %lt3A_421 : i32
      %lt3A_423 = arith.constant 0 : i32
      %lt3A_424 = arith.cmpi slt, %select_n3A_417, %lt3A_423 : i32
      %ne3A_425 = arith.xori %lt3A_422, %lt3A_424 : i1
      %and3A_426 = arith.andi %ne3A_425, %ne3A_420 : i1
      %add3A_427 = arith.addi %rem3A_418, %select_n3A_417 : i32
      %select_n3A_428 = arith.select %and3A_426, %add3A_427, %rem3A_418 : i32
      %dma_start3A_429 = arith.constant 6 : i32
      %dma_start3A_430 = arith.constant 0 : i32
      %dma_start3A_431 = arith.constant 0 : i32
      %dma_start3A_432 = tpu.memref_slice %arg7[%dma_start3A_429, %dma_start3A_430, %dma_start3A_431] : memref<16x8x56xf32, #tpu.memory_space<vmem>> -> memref<1x1x56xf32, #tpu.memory_space<vmem>>
      %dma_start3A_433 = arith.constant 0 : i32
      %dma_start3A_434 = tpu.memref_slice %arg3[%select_n3A_412, %select_n3A_428, %dma_start3A_433] : memref<125000x8x56xf32, #tpu.memory_space<hbm>> -> memref<1x1x56xf32, #tpu.memory_space<hbm>>
      %dma_start3A_435 = arith.constant 6 : i32
      %dma_start3A_436 = arith.constant 0 : i32
      %dma_start3A_437 = arith.constant 0 : i32
      %dma_start3A_438 = tpu.memref_slice %arg7[%dma_start3A_435, %dma_start3A_436, %dma_start3A_437] : memref<16x8x56xf32, #tpu.memory_space<vmem>> -> memref<1x1x56xf32, #tpu.memory_space<vmem>>
      %dma_start3A_439 = arith.constant 0 : i32
      %dma_start3A_440 = tpu.memref_slice %arg3[%select_n3A_412, %select_n3A_428, %dma_start3A_439] : memref<125000x8x56xf32, #tpu.memory_space<hbm>> -> memref<1x1x56xf32, #tpu.memory_space<hbm>>
      tpu.enqueue_dma source(%dma_start3A_440 : memref<1x1x56xf32, #tpu.memory_space<hbm>>) target(%dma_start3A_438 : memref<1x1x56xf32, #tpu.memory_space<vmem>>) target_semaphore(%arg14 : memref<!tpu.dma_semaphore, #tpu.memory_space<semaphore_mem>>)
      %add3A_441 = arith.constant 7 : i32
      %add3A_442 = arith.addi %mul3A_12, %add3A_441 : i32
      %get3A_443 = arith.index_cast %add3A_442 : i32 to index
      %get3A_444 = memref.load %arg11[%get3A_443] : memref<512xi32, #tpu.memory_space<smem>>
      %jit3A_445 = arith.constant 8 : i32
      %div3A_446 = arith.divsi %get3A_444, %jit3A_445 : i32
      %sign3A_447 = arith.constant 0 : i32
      %sign3A_448 = arith.cmpi sgt, %get3A_444, %sign3A_447 : i32
      %sign3A_449 = arith.extui %sign3A_448 : i1 to i32
      %sign3A_450 = arith.constant 0 : i32
      %sign3A_451 = arith.cmpi slt, %get3A_444, %sign3A_450 : i32
      %sign3A_452 = arith.extui %sign3A_451 : i1 to i32
      %sign3A_453 = arith.subi %sign3A_449, %sign3A_452 : i32
      %sign3A_454 = arith.constant 0 : i32
      %sign3A_455 = arith.cmpi sgt, %jit3A_445, %sign3A_454 : i32
      %sign3A_456 = arith.extui %sign3A_455 : i1 to i32
      %sign3A_457 = arith.constant 0 : i32
      %sign3A_458 = arith.cmpi slt, %jit3A_445, %sign3A_457 : i32
      %sign3A_459 = arith.extui %sign3A_458 : i1 to i32
      %sign3A_460 = arith.subi %sign3A_456, %sign3A_459 : i32
      %ne3A_461 = arith.cmpi ne, %sign3A_453, %sign3A_460 : i32
      %rem3A_462 = arith.remsi %get3A_444, %jit3A_445 : i32
      %ne3A_463 = arith.constant 0 : i32
      %ne3A_464 = arith.cmpi ne, %rem3A_462, %ne3A_463 : i32
      %and3A_465 = arith.andi %ne3A_461, %ne3A_464 : i1
      %sub3A_466 = arith.constant 1 : i32
      %sub3A_467 = arith.subi %div3A_446, %sub3A_466 : i32
      %select_n3A_468 = arith.select %and3A_465, %sub3A_467, %div3A_446 : i32
      %jit3A_469 = arith.constant 8 : i32
      %eq3A_470 = arith.constant 0 : i32
      %eq3A_471 = arith.cmpi eq, %jit3A_469, %eq3A_470 : i32
      %jit3A_472 = arith.constant 1 : i32
      %select_n3A_473 = arith.select %eq3A_471, %jit3A_472, %jit3A_469 : i32
      %rem3A_474 = arith.remsi %get3A_444, %select_n3A_473 : i32
      %ne3A_475 = arith.constant 0 : i32
      %ne3A_476 = arith.cmpi ne, %rem3A_474, %ne3A_475 : i32
      %lt3A_477 = arith.constant 0 : i32
      %lt3A_478 = arith.cmpi slt, %rem3A_474, %lt3A_477 : i32
      %lt3A_479 = arith.constant 0 : i32
      %lt3A_480 = arith.cmpi slt, %select_n3A_473, %lt3A_479 : i32
      %ne3A_481 = arith.xori %lt3A_478, %lt3A_480 : i1
      %and3A_482 = arith.andi %ne3A_481, %ne3A_476 : i1
      %add3A_483 = arith.addi %rem3A_474, %select_n3A_473 : i32
      %select_n3A_484 = arith.select %and3A_482, %add3A_483, %rem3A_474 : i32
      %dma_start3A_485 = arith.constant 7 : i32
      %dma_start3A_486 = arith.constant 0 : i32
      %dma_start3A_487 = arith.constant 0 : i32
      %dma_start3A_488 = tpu.memref_slice %arg7[%dma_start3A_485, %dma_start3A_486, %dma_start3A_487] : memref<16x8x56xf32, #tpu.memory_space<vmem>> -> memref<1x1x56xf32, #tpu.memory_space<vmem>>
      %dma_start3A_489 = arith.constant 0 : i32
      %dma_start3A_490 = tpu.memref_slice %arg3[%select_n3A_468, %select_n3A_484, %dma_start3A_489] : memref<125000x8x56xf32, #tpu.memory_space<hbm>> -> memref<1x1x56xf32, #tpu.memory_space<hbm>>
      %dma_start3A_491 = arith.constant 7 : i32
      %dma_start3A_492 = arith.constant 0 : i32
      %dma_start3A_493 = arith.constant 0 : i32
      %dma_start3A_494 = tpu.memref_slice %arg7[%dma_start3A_491, %dma_start3A_492, %dma_start3A_493] : memref<16x8x56xf32, #tpu.memory_space<vmem>> -> memref<1x1x56xf32, #tpu.memory_space<vmem>>
      %dma_start3A_495 = arith.constant 0 : i32
      %dma_start3A_496 = tpu.memref_slice %arg3[%select_n3A_468, %select_n3A_484, %dma_start3A_495] : memref<125000x8x56xf32, #tpu.memory_space<hbm>> -> memref<1x1x56xf32, #tpu.memory_space<hbm>>
      tpu.enqueue_dma source(%dma_start3A_496 : memref<1x1x56xf32, #tpu.memory_space<hbm>>) target(%dma_start3A_494 : memref<1x1x56xf32, #tpu.memory_space<vmem>>) target_semaphore(%arg15 : memref<!tpu.dma_semaphore, #tpu.memory_space<semaphore_mem>>)
      %dma_wait3A_497 = arith.constant 4 : i32
      %dma_wait3A_498 = arith.constant 0 : i32
      %dma_wait3A_499 = arith.constant 0 : i32
      %dma_wait3A_500 = tpu.memref_slice %arg7[%dma_wait3A_497, %dma_wait3A_498, %dma_wait3A_499] : memref<16x8x56xf32, #tpu.memory_space<vmem>> -> memref<1x1x56xf32, #tpu.memory_space<vmem>>
      %dma_wait3A_501 = arith.constant 0 : i32
      %dma_wait3A_502 = tpu.memref_slice %arg3[%select_n3A_300, %select_n3A_316, %dma_wait3A_501] : memref<125000x8x56xf32, #tpu.memory_space<hbm>> -> memref<1x1x56xf32, #tpu.memory_space<hbm>>
      %dma_wait3A_503 = arith.constant 4 : i32
      %dma_wait3A_504 = arith.constant 0 : i32
      %dma_wait3A_505 = arith.constant 0 : i32
      %dma_wait3A_506 = tpu.memref_slice %arg7[%dma_wait3A_503, %dma_wait3A_504, %dma_wait3A_505] : memref<16x8x56xf32, #tpu.memory_space<vmem>> -> memref<1x1x56xf32, #tpu.memory_space<vmem>>
      %dma_wait3A_507 = arith.constant 0 : i32
      %dma_wait3A_508 = tpu.memref_slice %arg3[%select_n3A_300, %select_n3A_316, %dma_wait3A_507] : memref<125000x8x56xf32, #tpu.memory_space<hbm>> -> memref<1x1x56xf32, #tpu.memory_space<hbm>>
      tpu.wait_dma2 semaphore(%arg12 : memref<!tpu.dma_semaphore, #tpu.memory_space<semaphore_mem>>) src(%dma_wait3A_508 : memref<1x1x56xf32, #tpu.memory_space<hbm>>) dst(%dma_wait3A_506 : memref<1x1x56xf32, #tpu.memory_space<vmem>>)
      %dma_wait3A_509 = arith.constant 5 : i32
      %dma_wait3A_510 = arith.constant 0 : i32
      %dma_wait3A_511 = arith.constant 0 : i32
      %dma_wait3A_512 = tpu.memref_slice %arg7[%dma_wait3A_509, %dma_wait3A_510, %dma_wait3A_511] : memref<16x8x56xf32, #tpu.memory_space<vmem>> -> memref<1x1x56xf32, #tpu.memory_space<vmem>>
      %dma_wait3A_513 = arith.constant 0 : i32
      %dma_wait3A_514 = tpu.memref_slice %arg3[%select_n3A_356, %select_n3A_372, %dma_wait3A_513] : memref<125000x8x56xf32, #tpu.memory_space<hbm>> -> memref<1x1x56xf32, #tpu.memory_space<hbm>>
      %dma_wait3A_515 = arith.constant 5 : i32
      %dma_wait3A_516 = arith.constant 0 : i32
      %dma_wait3A_517 = arith.constant 0 : i32
      %dma_wait3A_518 = tpu.memref_slice %arg7[%dma_wait3A_515, %dma_wait3A_516, %dma_wait3A_517] : memref<16x8x56xf32, #tpu.memory_space<vmem>> -> memref<1x1x56xf32, #tpu.memory_space<vmem>>
      %dma_wait3A_519 = arith.constant 0 : i32
      %dma_wait3A_520 = tpu.memref_slice %arg3[%select_n3A_356, %select_n3A_372, %dma_wait3A_519] : memref<125000x8x56xf32, #tpu.memory_space<hbm>> -> memref<1x1x56xf32, #tpu.memory_space<hbm>>
      tpu.wait_dma2 semaphore(%arg13 : memref<!tpu.dma_semaphore, #tpu.memory_space<semaphore_mem>>) src(%dma_wait3A_520 : memref<1x1x56xf32, #tpu.memory_space<hbm>>) dst(%dma_wait3A_518 : memref<1x1x56xf32, #tpu.memory_space<vmem>>)
      %dma_wait3A_521 = arith.constant 6 : i32
      %dma_wait3A_522 = arith.constant 0 : i32
      %dma_wait3A_523 = arith.constant 0 : i32
      %dma_wait3A_524 = tpu.memref_slice %arg7[%dma_wait3A_521, %dma_wait3A_522, %dma_wait3A_523] : memref<16x8x56xf32, #tpu.memory_space<vmem>> -> memref<1x1x56xf32, #tpu.memory_space<vmem>>
      %dma_wait3A_525 = arith.constant 0 : i32
      %dma_wait3A_526 = tpu.memref_slice %arg3[%select_n3A_412, %select_n3A_428, %dma_wait3A_525] : memref<125000x8x56xf32, #tpu.memory_space<hbm>> -> memref<1x1x56xf32, #tpu.memory_space<hbm>>
      %dma_wait3A_527 = arith.constant 6 : i32
      %dma_wait3A_528 = arith.constant 0 : i32
      %dma_wait3A_529 = arith.constant 0 : i32
      %dma_wait3A_530 = tpu.memref_slice %arg7[%dma_wait3A_527, %dma_wait3A_528, %dma_wait3A_529] : memref<16x8x56xf32, #tpu.memory_space<vmem>> -> memref<1x1x56xf32, #tpu.memory_space<vmem>>
      %dma_wait3A_531 = arith.constant 0 : i32
      %dma_wait3A_532 = tpu.memref_slice %arg3[%select_n3A_412, %select_n3A_428, %dma_wait3A_531] : memref<125000x8x56xf32, #tpu.memory_space<hbm>> -> memref<1x1x56xf32, #tpu.memory_space<hbm>>
      tpu.wait_dma2 semaphore(%arg14 : memref<!tpu.dma_semaphore, #tpu.memory_space<semaphore_mem>>) src(%dma_wait3A_532 : memref<1x1x56xf32, #tpu.memory_space<hbm>>) dst(%dma_wait3A_530 : memref<1x1x56xf32, #tpu.memory_space<vmem>>)
      %dma_wait3A_533 = arith.constant 7 : i32
      %dma_wait3A_534 = arith.constant 0 : i32
      %dma_wait3A_535 = arith.constant 0 : i32
      %dma_wait3A_536 = tpu.memref_slice %arg7[%dma_wait3A_533, %dma_wait3A_534, %dma_wait3A_535] : memref<16x8x56xf32, #tpu.memory_space<vmem>> -> memref<1x1x56xf32, #tpu.memory_space<vmem>>
      %dma_wait3A_537 = arith.constant 0 : i32
      %dma_wait3A_538 = tpu.memref_slice %arg3[%select_n3A_468, %select_n3A_484, %dma_wait3A_537] : memref<125000x8x56xf32, #tpu.memory_space<hbm>> -> memref<1x1x56xf32, #tpu.memory_space<hbm>>
      %dma_wait3A_539 = arith.constant 7 : i32
      %dma_wait3A_540 = arith.constant 0 : i32
      %dma_wait3A_541 = arith.constant 0 : i32
      %dma_wait3A_542 = tpu.memref_slice %arg7[%dma_wait3A_539, %dma_wait3A_540, %dma_wait3A_541] : memref<16x8x56xf32, #tpu.memory_space<vmem>> -> memref<1x1x56xf32, #tpu.memory_space<vmem>>
      %dma_wait3A_543 = arith.constant 0 : i32
      %dma_wait3A_544 = tpu.memref_slice %arg3[%select_n3A_468, %select_n3A_484, %dma_wait3A_543] : memref<125000x8x56xf32, #tpu.memory_space<hbm>> -> memref<1x1x56xf32, #tpu.memory_space<hbm>>
      tpu.wait_dma2 semaphore(%arg15 : memref<!tpu.dma_semaphore, #tpu.memory_space<semaphore_mem>>) src(%dma_wait3A_544 : memref<1x1x56xf32, #tpu.memory_space<hbm>>) dst(%dma_wait3A_542 : memref<1x1x56xf32, #tpu.memory_space<vmem>>)
      %add3A_545 = arith.constant 8 : i32
      %add3A_546 = arith.addi %mul3A_12, %add3A_545 : i32
      %get3A_547 = arith.index_cast %add3A_546 : i32 to index
      %get3A_548 = memref.load %arg11[%get3A_547] : memref<512xi32, #tpu.memory_space<smem>>
      %jit3A_549 = arith.constant 8 : i32
      %div3A_550 = arith.divsi %get3A_548, %jit3A_549 : i32
      %sign3A_551 = arith.constant 0 : i32
      %sign3A_552 = arith.cmpi sgt, %get3A_548, %sign3A_551 : i32
      %sign3A_553 = arith.extui %sign3A_552 : i1 to i32
      %sign3A_554 = arith.constant 0 : i32
      %sign3A_555 = arith.cmpi slt, %get3A_548, %sign3A_554 : i32
      %sign3A_556 = arith.extui %sign3A_555 : i1 to i32
      %sign3A_557 = arith.subi %sign3A_553, %sign3A_556 : i32
      %sign3A_558 = arith.constant 0 : i32
      %sign3A_559 = arith.cmpi sgt, %jit3A_549, %sign3A_558 : i32
      %sign3A_560 = arith.extui %sign3A_559 : i1 to i32
      %sign3A_561 = arith.constant 0 : i32
      %sign3A_562 = arith.cmpi slt, %jit3A_549, %sign3A_561 : i32
      %sign3A_563 = arith.extui %sign3A_562 : i1 to i32
      %sign3A_564 = arith.subi %sign3A_560, %sign3A_563 : i32
      %ne3A_565 = arith.cmpi ne, %sign3A_557, %sign3A_564 : i32
      %rem3A_566 = arith.remsi %get3A_548, %jit3A_549 : i32
      %ne3A_567 = arith.constant 0 : i32
      %ne3A_568 = arith.cmpi ne, %rem3A_566, %ne3A_567 : i32
      %and3A_569 = arith.andi %ne3A_565, %ne3A_568 : i1
      %sub3A_570 = arith.constant 1 : i32
      %sub3A_571 = arith.subi %div3A_550, %sub3A_570 : i32
      %select_n3A_572 = arith.select %and3A_569, %sub3A_571, %div3A_550 : i32
      %jit3A_573 = arith.constant 8 : i32
      %eq3A_574 = arith.constant 0 : i32
      %eq3A_575 = arith.cmpi eq, %jit3A_573, %eq3A_574 : i32
      %jit3A_576 = arith.constant 1 : i32
      %select_n3A_577 = arith.select %eq3A_575, %jit3A_576, %jit3A_573 : i32
      %rem3A_578 = arith.remsi %get3A_548, %select_n3A_577 : i32
      %ne3A_579 = arith.constant 0 : i32
      %ne3A_580 = arith.cmpi ne, %rem3A_578, %ne3A_579 : i32
      %lt3A_581 = arith.constant 0 : i32
      %lt3A_582 = arith.cmpi slt, %rem3A_578, %lt3A_581 : i32
      %lt3A_583 = arith.constant 0 : i32
      %lt3A_584 = arith.cmpi slt, %select_n3A_577, %lt3A_583 : i32
      %ne3A_585 = arith.xori %lt3A_582, %lt3A_584 : i1
      %and3A_586 = arith.andi %ne3A_585, %ne3A_580 : i1
      %add3A_587 = arith.addi %rem3A_578, %select_n3A_577 : i32
      %select_n3A_588 = arith.select %and3A_586, %add3A_587, %rem3A_578 : i32
      %dma_start3A_589 = arith.constant 8 : i32
      %dma_start3A_590 = arith.constant 0 : i32
      %dma_start3A_591 = arith.constant 0 : i32
      %dma_start3A_592 = tpu.memref_slice %arg7[%dma_start3A_589, %dma_start3A_590, %dma_start3A_591] : memref<16x8x56xf32, #tpu.memory_space<vmem>> -> memref<1x1x56xf32, #tpu.memory_space<vmem>>
      %dma_start3A_593 = arith.constant 0 : i32
      %dma_start3A_594 = tpu.memref_slice %arg3[%select_n3A_572, %select_n3A_588, %dma_start3A_593] : memref<125000x8x56xf32, #tpu.memory_space<hbm>> -> memref<1x1x56xf32, #tpu.memory_space<hbm>>
      %dma_start3A_595 = arith.constant 8 : i32
      %dma_start3A_596 = arith.constant 0 : i32
      %dma_start3A_597 = arith.constant 0 : i32
      %dma_start3A_598 = tpu.memref_slice %arg7[%dma_start3A_595, %dma_start3A_596, %dma_start3A_597] : memref<16x8x56xf32, #tpu.memory_space<vmem>> -> memref<1x1x56xf32, #tpu.memory_space<vmem>>
      %dma_start3A_599 = arith.constant 0 : i32
      %dma_start3A_600 = tpu.memref_slice %arg3[%select_n3A_572, %select_n3A_588, %dma_start3A_599] : memref<125000x8x56xf32, #tpu.memory_space<hbm>> -> memref<1x1x56xf32, #tpu.memory_space<hbm>>
      tpu.enqueue_dma source(%dma_start3A_600 : memref<1x1x56xf32, #tpu.memory_space<hbm>>) target(%dma_start3A_598 : memref<1x1x56xf32, #tpu.memory_space<vmem>>) target_semaphore(%arg12 : memref<!tpu.dma_semaphore, #tpu.memory_space<semaphore_mem>>)
      %add3A_601 = arith.constant 9 : i32
      %add3A_602 = arith.addi %mul3A_12, %add3A_601 : i32
      %get3A_603 = arith.index_cast %add3A_602 : i32 to index
      %get3A_604 = memref.load %arg11[%get3A_603] : memref<512xi32, #tpu.memory_space<smem>>
      %jit3A_605 = arith.constant 8 : i32
      %div3A_606 = arith.divsi %get3A_604, %jit3A_605 : i32
      %sign3A_607 = arith.constant 0 : i32
      %sign3A_608 = arith.cmpi sgt, %get3A_604, %sign3A_607 : i32
      %sign3A_609 = arith.extui %sign3A_608 : i1 to i32
      %sign3A_610 = arith.constant 0 : i32
      %sign3A_611 = arith.cmpi slt, %get3A_604, %sign3A_610 : i32
      %sign3A_612 = arith.extui %sign3A_611 : i1 to i32
      %sign3A_613 = arith.subi %sign3A_609, %sign3A_612 : i32
      %sign3A_614 = arith.constant 0 : i32
      %sign3A_615 = arith.cmpi sgt, %jit3A_605, %sign3A_614 : i32
      %sign3A_616 = arith.extui %sign3A_615 : i1 to i32
      %sign3A_617 = arith.constant 0 : i32
      %sign3A_618 = arith.cmpi slt, %jit3A_605, %sign3A_617 : i32
      %sign3A_619 = arith.extui %sign3A_618 : i1 to i32
      %sign3A_620 = arith.subi %sign3A_616, %sign3A_619 : i32
      %ne3A_621 = arith.cmpi ne, %sign3A_613, %sign3A_620 : i32
      %rem3A_622 = arith.remsi %get3A_604, %jit3A_605 : i32
      %ne3A_623 = arith.constant 0 : i32
      %ne3A_624 = arith.cmpi ne, %rem3A_622, %ne3A_623 : i32
      %and3A_625 = arith.andi %ne3A_621, %ne3A_624 : i1
      %sub3A_626 = arith.constant 1 : i32
      %sub3A_627 = arith.subi %div3A_606, %sub3A_626 : i32
      %select_n3A_628 = arith.select %and3A_625, %sub3A_627, %div3A_606 : i32
      %jit3A_629 = arith.constant 8 : i32
      %eq3A_630 = arith.constant 0 : i32
      %eq3A_631 = arith.cmpi eq, %jit3A_629, %eq3A_630 : i32
      %jit3A_632 = arith.constant 1 : i32
      %select_n3A_633 = arith.select %eq3A_631, %jit3A_632, %jit3A_629 : i32
      %rem3A_634 = arith.remsi %get3A_604, %select_n3A_633 : i32
      %ne3A_635 = arith.constant 0 : i32
      %ne3A_636 = arith.cmpi ne, %rem3A_634, %ne3A_635 : i32
      %lt3A_637 = arith.constant 0 : i32
      %lt3A_638 = arith.cmpi slt, %rem3A_634, %lt3A_637 : i32
      %lt3A_639 = arith.constant 0 : i32
      %lt3A_640 = arith.cmpi slt, %select_n3A_633, %lt3A_639 : i32
      %ne3A_641 = arith.xori %lt3A_638, %lt3A_640 : i1
      %and3A_642 = arith.andi %ne3A_641, %ne3A_636 : i1
      %add3A_643 = arith.addi %rem3A_634, %select_n3A_633 : i32
      %select_n3A_644 = arith.select %and3A_642, %add3A_643, %rem3A_634 : i32
      %dma_start3A_645 = arith.constant 9 : i32
      %dma_start3A_646 = arith.constant 0 : i32
      %dma_start3A_647 = arith.constant 0 : i32
      %dma_start3A_648 = tpu.memref_slice %arg7[%dma_start3A_645, %dma_start3A_646, %dma_start3A_647] : memref<16x8x56xf32, #tpu.memory_space<vmem>> -> memref<1x1x56xf32, #tpu.memory_space<vmem>>
      %dma_start3A_649 = arith.constant 0 : i32
      %dma_start3A_650 = tpu.memref_slice %arg3[%select_n3A_628, %select_n3A_644, %dma_start3A_649] : memref<125000x8x56xf32, #tpu.memory_space<hbm>> -> memref<1x1x56xf32, #tpu.memory_space<hbm>>
      %dma_start3A_651 = arith.constant 9 : i32
      %dma_start3A_652 = arith.constant 0 : i32
      %dma_start3A_653 = arith.constant 0 : i32
      %dma_start3A_654 = tpu.memref_slice %arg7[%dma_start3A_651, %dma_start3A_652, %dma_start3A_653] : memref<16x8x56xf32, #tpu.memory_space<vmem>> -> memref<1x1x56xf32, #tpu.memory_space<vmem>>
      %dma_start3A_655 = arith.constant 0 : i32
      %dma_start3A_656 = tpu.memref_slice %arg3[%select_n3A_628, %select_n3A_644, %dma_start3A_655] : memref<125000x8x56xf32, #tpu.memory_space<hbm>> -> memref<1x1x56xf32, #tpu.memory_space<hbm>>
      tpu.enqueue_dma source(%dma_start3A_656 : memref<1x1x56xf32, #tpu.memory_space<hbm>>) target(%dma_start3A_654 : memref<1x1x56xf32, #tpu.memory_space<vmem>>) target_semaphore(%arg13 : memref<!tpu.dma_semaphore, #tpu.memory_space<semaphore_mem>>)
      %add3A_657 = arith.constant 10 : i32
      %add3A_658 = arith.addi %mul3A_12, %add3A_657 : i32
      %get3A_659 = arith.index_cast %add3A_658 : i32 to index
      %get3A_660 = memref.load %arg11[%get3A_659] : memref<512xi32, #tpu.memory_space<smem>>
      %jit3A_661 = arith.constant 8 : i32
      %div3A_662 = arith.divsi %get3A_660, %jit3A_661 : i32
      %sign3A_663 = arith.constant 0 : i32
      %sign3A_664 = arith.cmpi sgt, %get3A_660, %sign3A_663 : i32
      %sign3A_665 = arith.extui %sign3A_664 : i1 to i32
      %sign3A_666 = arith.constant 0 : i32
      %sign3A_667 = arith.cmpi slt, %get3A_660, %sign3A_666 : i32
      %sign3A_668 = arith.extui %sign3A_667 : i1 to i32
      %sign3A_669 = arith.subi %sign3A_665, %sign3A_668 : i32
      %sign3A_670 = arith.constant 0 : i32
      %sign3A_671 = arith.cmpi sgt, %jit3A_661, %sign3A_670 : i32
      %sign3A_672 = arith.extui %sign3A_671 : i1 to i32
      %sign3A_673 = arith.constant 0 : i32
      %sign3A_674 = arith.cmpi slt, %jit3A_661, %sign3A_673 : i32
      %sign3A_675 = arith.extui %sign3A_674 : i1 to i32
      %sign3A_676 = arith.subi %sign3A_672, %sign3A_675 : i32
      %ne3A_677 = arith.cmpi ne, %sign3A_669, %sign3A_676 : i32
      %rem3A_678 = arith.remsi %get3A_660, %jit3A_661 : i32
      %ne3A_679 = arith.constant 0 : i32
      %ne3A_680 = arith.cmpi ne, %rem3A_678, %ne3A_679 : i32
      %and3A_681 = arith.andi %ne3A_677, %ne3A_680 : i1
      %sub3A_682 = arith.constant 1 : i32
      %sub3A_683 = arith.subi %div3A_662, %sub3A_682 : i32
      %select_n3A_684 = arith.select %and3A_681, %sub3A_683, %div3A_662 : i32
      %jit3A_685 = arith.constant 8 : i32
      %eq3A_686 = arith.constant 0 : i32
      %eq3A_687 = arith.cmpi eq, %jit3A_685, %eq3A_686 : i32
      %jit3A_688 = arith.constant 1 : i32
      %select_n3A_689 = arith.select %eq3A_687, %jit3A_688, %jit3A_685 : i32
      %rem3A_690 = arith.remsi %get3A_660, %select_n3A_689 : i32
      %ne3A_691 = arith.constant 0 : i32
      %ne3A_692 = arith.cmpi ne, %rem3A_690, %ne3A_691 : i32
      %lt3A_693 = arith.constant 0 : i32
      %lt3A_694 = arith.cmpi slt, %rem3A_690, %lt3A_693 : i32
      %lt3A_695 = arith.constant 0 : i32
      %lt3A_696 = arith.cmpi slt, %select_n3A_689, %lt3A_695 : i32
      %ne3A_697 = arith.xori %lt3A_694, %lt3A_696 : i1
      %and3A_698 = arith.andi %ne3A_697, %ne3A_692 : i1
      %add3A_699 = arith.addi %rem3A_690, %select_n3A_689 : i32
      %select_n3A_700 = arith.select %and3A_698, %add3A_699, %rem3A_690 : i32
      %dma_start3A_701 = arith.constant 10 : i32
      %dma_start3A_702 = arith.constant 0 : i32
      %dma_start3A_703 = arith.constant 0 : i32
      %dma_start3A_704 = tpu.memref_slice %arg7[%dma_start3A_701, %dma_start3A_702, %dma_start3A_703] : memref<16x8x56xf32, #tpu.memory_space<vmem>> -> memref<1x1x56xf32, #tpu.memory_space<vmem>>
      %dma_start3A_705 = arith.constant 0 : i32
      %dma_start3A_706 = tpu.memref_slice %arg3[%select_n3A_684, %select_n3A_700, %dma_start3A_705] : memref<125000x8x56xf32, #tpu.memory_space<hbm>> -> memref<1x1x56xf32, #tpu.memory_space<hbm>>
      %dma_start3A_707 = arith.constant 10 : i32
      %dma_start3A_708 = arith.constant 0 : i32
      %dma_start3A_709 = arith.constant 0 : i32
      %dma_start3A_710 = tpu.memref_slice %arg7[%dma_start3A_707, %dma_start3A_708, %dma_start3A_709] : memref<16x8x56xf32, #tpu.memory_space<vmem>> -> memref<1x1x56xf32, #tpu.memory_space<vmem>>
      %dma_start3A_711 = arith.constant 0 : i32
      %dma_start3A_712 = tpu.memref_slice %arg3[%select_n3A_684, %select_n3A_700, %dma_start3A_711] : memref<125000x8x56xf32, #tpu.memory_space<hbm>> -> memref<1x1x56xf32, #tpu.memory_space<hbm>>
      tpu.enqueue_dma source(%dma_start3A_712 : memref<1x1x56xf32, #tpu.memory_space<hbm>>) target(%dma_start3A_710 : memref<1x1x56xf32, #tpu.memory_space<vmem>>) target_semaphore(%arg14 : memref<!tpu.dma_semaphore, #tpu.memory_space<semaphore_mem>>)
      %add3A_713 = arith.constant 11 : i32
      %add3A_714 = arith.addi %mul3A_12, %add3A_713 : i32
      %get3A_715 = arith.index_cast %add3A_714 : i32 to index
      %get3A_716 = memref.load %arg11[%get3A_715] : memref<512xi32, #tpu.memory_space<smem>>
      %jit3A_717 = arith.constant 8 : i32
      %div3A_718 = arith.divsi %get3A_716, %jit3A_717 : i32
      %sign3A_719 = arith.constant 0 : i32
      %sign3A_720 = arith.cmpi sgt, %get3A_716, %sign3A_719 : i32
      %sign3A_721 = arith.extui %sign3A_720 : i1 to i32
      %sign3A_722 = arith.constant 0 : i32
      %sign3A_723 = arith.cmpi slt, %get3A_716, %sign3A_722 : i32
      %sign3A_724 = arith.extui %sign3A_723 : i1 to i32
      %sign3A_725 = arith.subi %sign3A_721, %sign3A_724 : i32
      %sign3A_726 = arith.constant 0 : i32
      %sign3A_727 = arith.cmpi sgt, %jit3A_717, %sign3A_726 : i32
      %sign3A_728 = arith.extui %sign3A_727 : i1 to i32
      %sign3A_729 = arith.constant 0 : i32
      %sign3A_730 = arith.cmpi slt, %jit3A_717, %sign3A_729 : i32
      %sign3A_731 = arith.extui %sign3A_730 : i1 to i32
      %sign3A_732 = arith.subi %sign3A_728, %sign3A_731 : i32
      %ne3A_733 = arith.cmpi ne, %sign3A_725, %sign3A_732 : i32
      %rem3A_734 = arith.remsi %get3A_716, %jit3A_717 : i32
      %ne3A_735 = arith.constant 0 : i32
      %ne3A_736 = arith.cmpi ne, %rem3A_734, %ne3A_735 : i32
      %and3A_737 = arith.andi %ne3A_733, %ne3A_736 : i1
      %sub3A_738 = arith.constant 1 : i32
      %sub3A_739 = arith.subi %div3A_718, %sub3A_738 : i32
      %select_n3A_740 = arith.select %and3A_737, %sub3A_739, %div3A_718 : i32
      %jit3A_741 = arith.constant 8 : i32
      %eq3A_742 = arith.constant 0 : i32
      %eq3A_743 = arith.cmpi eq, %jit3A_741, %eq3A_742 : i32
      %jit3A_744 = arith.constant 1 : i32
      %select_n3A_745 = arith.select %eq3A_743, %jit3A_744, %jit3A_741 : i32
      %rem3A_746 = arith.remsi %get3A_716, %select_n3A_745 : i32
      %ne3A_747 = arith.constant 0 : i32
      %ne3A_748 = arith.cmpi ne, %rem3A_746, %ne3A_747 : i32
      %lt3A_749 = arith.constant 0 : i32
      %lt3A_750 = arith.cmpi slt, %rem3A_746, %lt3A_749 : i32
      %lt3A_751 = arith.constant 0 : i32
      %lt3A_752 = arith.cmpi slt, %select_n3A_745, %lt3A_751 : i32
      %ne3A_753 = arith.xori %lt3A_750, %lt3A_752 : i1
      %and3A_754 = arith.andi %ne3A_753, %ne3A_748 : i1
      %add3A_755 = arith.addi %rem3A_746, %select_n3A_745 : i32
      %select_n3A_756 = arith.select %and3A_754, %add3A_755, %rem3A_746 : i32
      %dma_start3A_757 = arith.constant 11 : i32
      %dma_start3A_758 = arith.constant 0 : i32
      %dma_start3A_759 = arith.constant 0 : i32
      %dma_start3A_760 = tpu.memref_slice %arg7[%dma_start3A_757, %dma_start3A_758, %dma_start3A_759] : memref<16x8x56xf32, #tpu.memory_space<vmem>> -> memref<1x1x56xf32, #tpu.memory_space<vmem>>
      %dma_start3A_761 = arith.constant 0 : i32
      %dma_start3A_762 = tpu.memref_slice %arg3[%select_n3A_740, %select_n3A_756, %dma_start3A_761] : memref<125000x8x56xf32, #tpu.memory_space<hbm>> -> memref<1x1x56xf32, #tpu.memory_space<hbm>>
      %dma_start3A_763 = arith.constant 11 : i32
      %dma_start3A_764 = arith.constant 0 : i32
      %dma_start3A_765 = arith.constant 0 : i32
      %dma_start3A_766 = tpu.memref_slice %arg7[%dma_start3A_763, %dma_start3A_764, %dma_start3A_765] : memref<16x8x56xf32, #tpu.memory_space<vmem>> -> memref<1x1x56xf32, #tpu.memory_space<vmem>>
      %dma_start3A_767 = arith.constant 0 : i32
      %dma_start3A_768 = tpu.memref_slice %arg3[%select_n3A_740, %select_n3A_756, %dma_start3A_767] : memref<125000x8x56xf32, #tpu.memory_space<hbm>> -> memref<1x1x56xf32, #tpu.memory_space<hbm>>
      tpu.enqueue_dma source(%dma_start3A_768 : memref<1x1x56xf32, #tpu.memory_space<hbm>>) target(%dma_start3A_766 : memref<1x1x56xf32, #tpu.memory_space<vmem>>) target_semaphore(%arg15 : memref<!tpu.dma_semaphore, #tpu.memory_space<semaphore_mem>>)
      %dma_wait3A_769 = arith.constant 8 : i32
      %dma_wait3A_770 = arith.constant 0 : i32
      %dma_wait3A_771 = arith.constant 0 : i32
      %dma_wait3A_772 = tpu.memref_slice %arg7[%dma_wait3A_769, %dma_wait3A_770, %dma_wait3A_771] : memref<16x8x56xf32, #tpu.memory_space<vmem>> -> memref<1x1x56xf32, #tpu.memory_space<vmem>>
      %dma_wait3A_773 = arith.constant 0 : i32
      %dma_wait3A_774 = tpu.memref_slice %arg3[%select_n3A_572, %select_n3A_588, %dma_wait3A_773] : memref<125000x8x56xf32, #tpu.memory_space<hbm>> -> memref<1x1x56xf32, #tpu.memory_space<hbm>>
      %dma_wait3A_775 = arith.constant 8 : i32
      %dma_wait3A_776 = arith.constant 0 : i32
      %dma_wait3A_777 = arith.constant 0 : i32
      %dma_wait3A_778 = tpu.memref_slice %arg7[%dma_wait3A_775, %dma_wait3A_776, %dma_wait3A_777] : memref<16x8x56xf32, #tpu.memory_space<vmem>> -> memref<1x1x56xf32, #tpu.memory_space<vmem>>
      %dma_wait3A_779 = arith.constant 0 : i32
      %dma_wait3A_780 = tpu.memref_slice %arg3[%select_n3A_572, %select_n3A_588, %dma_wait3A_779] : memref<125000x8x56xf32, #tpu.memory_space<hbm>> -> memref<1x1x56xf32, #tpu.memory_space<hbm>>
      tpu.wait_dma2 semaphore(%arg12 : memref<!tpu.dma_semaphore, #tpu.memory_space<semaphore_mem>>) src(%dma_wait3A_780 : memref<1x1x56xf32, #tpu.memory_space<hbm>>) dst(%dma_wait3A_778 : memref<1x1x56xf32, #tpu.memory_space<vmem>>)
      %dma_wait3A_781 = arith.constant 9 : i32
      %dma_wait3A_782 = arith.constant 0 : i32
      %dma_wait3A_783 = arith.constant 0 : i32
      %dma_wait3A_784 = tpu.memref_slice %arg7[%dma_wait3A_781, %dma_wait3A_782, %dma_wait3A_783] : memref<16x8x56xf32, #tpu.memory_space<vmem>> -> memref<1x1x56xf32, #tpu.memory_space<vmem>>
      %dma_wait3A_785 = arith.constant 0 : i32
      %dma_wait3A_786 = tpu.memref_slice %arg3[%select_n3A_628, %select_n3A_644, %dma_wait3A_785] : memref<125000x8x56xf32, #tpu.memory_space<hbm>> -> memref<1x1x56xf32, #tpu.memory_space<hbm>>
      %dma_wait3A_787 = arith.constant 9 : i32
      %dma_wait3A_788 = arith.constant 0 : i32
      %dma_wait3A_789 = arith.constant 0 : i32
      %dma_wait3A_790 = tpu.memref_slice %arg7[%dma_wait3A_787, %dma_wait3A_788, %dma_wait3A_789] : memref<16x8x56xf32, #tpu.memory_space<vmem>> -> memref<1x1x56xf32, #tpu.memory_space<vmem>>
      %dma_wait3A_791 = arith.constant 0 : i32
      %dma_wait3A_792 = tpu.memref_slice %arg3[%select_n3A_628, %select_n3A_644, %dma_wait3A_791] : memref<125000x8x56xf32, #tpu.memory_space<hbm>> -> memref<1x1x56xf32, #tpu.memory_space<hbm>>
      tpu.wait_dma2 semaphore(%arg13 : memref<!tpu.dma_semaphore, #tpu.memory_space<semaphore_mem>>) src(%dma_wait3A_792 : memref<1x1x56xf32, #tpu.memory_space<hbm>>) dst(%dma_wait3A_790 : memref<1x1x56xf32, #tpu.memory_space<vmem>>)
      %dma_wait3A_793 = arith.constant 10 : i32
      %dma_wait3A_794 = arith.constant 0 : i32
      %dma_wait3A_795 = arith.constant 0 : i32
      %dma_wait3A_796 = tpu.memref_slice %arg7[%dma_wait3A_793, %dma_wait3A_794, %dma_wait3A_795] : memref<16x8x56xf32, #tpu.memory_space<vmem>> -> memref<1x1x56xf32, #tpu.memory_space<vmem>>
      %dma_wait3A_797 = arith.constant 0 : i32
      %dma_wait3A_798 = tpu.memref_slice %arg3[%select_n3A_684, %select_n3A_700, %dma_wait3A_797] : memref<125000x8x56xf32, #tpu.memory_space<hbm>> -> memref<1x1x56xf32, #tpu.memory_space<hbm>>
      %dma_wait3A_799 = arith.constant 10 : i32
      %dma_wait3A_800 = arith.constant 0 : i32
      %dma_wait3A_801 = arith.constant 0 : i32
      %dma_wait3A_802 = tpu.memref_slice %arg7[%dma_wait3A_799, %dma_wait3A_800, %dma_wait3A_801] : memref<16x8x56xf32, #tpu.memory_space<vmem>> -> memref<1x1x56xf32, #tpu.memory_space<vmem>>
      %dma_wait3A_803 = arith.constant 0 : i32
      %dma_wait3A_804 = tpu.memref_slice %arg3[%select_n3A_684, %select_n3A_700, %dma_wait3A_803] : memref<125000x8x56xf32, #tpu.memory_space<hbm>> -> memref<1x1x56xf32, #tpu.memory_space<hbm>>
      tpu.wait_dma2 semaphore(%arg14 : memref<!tpu.dma_semaphore, #tpu.memory_space<semaphore_mem>>) src(%dma_wait3A_804 : memref<1x1x56xf32, #tpu.memory_space<hbm>>) dst(%dma_wait3A_802 : memref<1x1x56xf32, #tpu.memory_space<vmem>>)
      %dma_wait3A_805 = arith.constant 11 : i32
      %dma_wait3A_806 = arith.constant 0 : i32
      %dma_wait3A_807 = arith.constant 0 : i32
      %dma_wait3A_808 = tpu.memref_slice %arg7[%dma_wait3A_805, %dma_wait3A_806, %dma_wait3A_807] : memref<16x8x56xf32, #tpu.memory_space<vmem>> -> memref<1x1x56xf32, #tpu.memory_space<vmem>>
      %dma_wait3A_809 = arith.constant 0 : i32
      %dma_wait3A_810 = tpu.memref_slice %arg3[%select_n3A_740, %select_n3A_756, %dma_wait3A_809] : memref<125000x8x56xf32, #tpu.memory_space<hbm>> -> memref<1x1x56xf32, #tpu.memory_space<hbm>>
      %dma_wait3A_811 = arith.constant 11 : i32
      %dma_wait3A_812 = arith.constant 0 : i32
      %dma_wait3A_813 = arith.constant 0 : i32
      %dma_wait3A_814 = tpu.memref_slice %arg7[%dma_wait3A_811, %dma_wait3A_812, %dma_wait3A_813] : memref<16x8x56xf32, #tpu.memory_space<vmem>> -> memref<1x1x56xf32, #tpu.memory_space<vmem>>
      %dma_wait3A_815 = arith.constant 0 : i32
      %dma_wait3A_816 = tpu.memref_slice %arg3[%select_n3A_740, %select_n3A_756, %dma_wait3A_815] : memref<125000x8x56xf32, #tpu.memory_space<hbm>> -> memref<1x1x56xf32, #tpu.memory_space<hbm>>
      tpu.wait_dma2 semaphore(%arg15 : memref<!tpu.dma_semaphore, #tpu.memory_space<semaphore_mem>>) src(%dma_wait3A_816 : memref<1x1x56xf32, #tpu.memory_space<hbm>>) dst(%dma_wait3A_814 : memref<1x1x56xf32, #tpu.memory_space<vmem>>)
      %add3A_817 = arith.constant 12 : i32
      %add3A_818 = arith.addi %mul3A_12, %add3A_817 : i32
      %get3A_819 = arith.index_cast %add3A_818 : i32 to index
      %get3A_820 = memref.load %arg11[%get3A_819] : memref<512xi32, #tpu.memory_space<smem>>
      %jit3A_821 = arith.constant 8 : i32
      %div3A_822 = arith.divsi %get3A_820, %jit3A_821 : i32
      %sign3A_823 = arith.constant 0 : i32
      %sign3A_824 = arith.cmpi sgt, %get3A_820, %sign3A_823 : i32
      %sign3A_825 = arith.extui %sign3A_824 : i1 to i32
      %sign3A_826 = arith.constant 0 : i32
      %sign3A_827 = arith.cmpi slt, %get3A_820, %sign3A_826 : i32
      %sign3A_828 = arith.extui %sign3A_827 : i1 to i32
      %sign3A_829 = arith.subi %sign3A_825, %sign3A_828 : i32
      %sign3A_830 = arith.constant 0 : i32
      %sign3A_831 = arith.cmpi sgt, %jit3A_821, %sign3A_830 : i32
      %sign3A_832 = arith.extui %sign3A_831 : i1 to i32
      %sign3A_833 = arith.constant 0 : i32
      %sign3A_834 = arith.cmpi slt, %jit3A_821, %sign3A_833 : i32
      %sign3A_835 = arith.extui %sign3A_834 : i1 to i32
      %sign3A_836 = arith.subi %sign3A_832, %sign3A_835 : i32
      %ne3A_837 = arith.cmpi ne, %sign3A_829, %sign3A_836 : i32
      %rem3A_838 = arith.remsi %get3A_820, %jit3A_821 : i32
      %ne3A_839 = arith.constant 0 : i32
      %ne3A_840 = arith.cmpi ne, %rem3A_838, %ne3A_839 : i32
      %and3A_841 = arith.andi %ne3A_837, %ne3A_840 : i1
      %sub3A_842 = arith.constant 1 : i32
      %sub3A_843 = arith.subi %div3A_822, %sub3A_842 : i32
      %select_n3A_844 = arith.select %and3A_841, %sub3A_843, %div3A_822 : i32
      %jit3A_845 = arith.constant 8 : i32
      %eq3A_846 = arith.constant 0 : i32
      %eq3A_847 = arith.cmpi eq, %jit3A_845, %eq3A_846 : i32
      %jit3A_848 = arith.constant 1 : i32
      %select_n3A_849 = arith.select %eq3A_847, %jit3A_848, %jit3A_845 : i32
      %rem3A_850 = arith.remsi %get3A_820, %select_n3A_849 : i32
      %ne3A_851 = arith.constant 0 : i32
      %ne3A_852 = arith.cmpi ne, %rem3A_850, %ne3A_851 : i32
      %lt3A_853 = arith.constant 0 : i32
      %lt3A_854 = arith.cmpi slt, %rem3A_850, %lt3A_853 : i32
      %lt3A_855 = arith.constant 0 : i32
      %lt3A_856 = arith.cmpi slt, %select_n3A_849, %lt3A_855 : i32
      %ne3A_857 = arith.xori %lt3A_854, %lt3A_856 : i1
      %and3A_858 = arith.andi %ne3A_857, %ne3A_852 : i1
      %add3A_859 = arith.addi %rem3A_850, %select_n3A_849 : i32
      %select_n3A_860 = arith.select %and3A_858, %add3A_859, %rem3A_850 : i32
      %dma_start3A_861 = arith.constant 12 : i32
      %dma_start3A_862 = arith.constant 0 : i32
      %dma_start3A_863 = arith.constant 0 : i32
      %dma_start3A_864 = tpu.memref_slice %arg7[%dma_start3A_861, %dma_start3A_862, %dma_start3A_863] : memref<16x8x56xf32, #tpu.memory_space<vmem>> -> memref<1x1x56xf32, #tpu.memory_space<vmem>>
      %dma_start3A_865 = arith.constant 0 : i32
      %dma_start3A_866 = tpu.memref_slice %arg3[%select_n3A_844, %select_n3A_860, %dma_start3A_865] : memref<125000x8x56xf32, #tpu.memory_space<hbm>> -> memref<1x1x56xf32, #tpu.memory_space<hbm>>
      %dma_start3A_867 = arith.constant 12 : i32
      %dma_start3A_868 = arith.constant 0 : i32
      %dma_start3A_869 = arith.constant 0 : i32
      %dma_start3A_870 = tpu.memref_slice %arg7[%dma_start3A_867, %dma_start3A_868, %dma_start3A_869] : memref<16x8x56xf32, #tpu.memory_space<vmem>> -> memref<1x1x56xf32, #tpu.memory_space<vmem>>
      %dma_start3A_871 = arith.constant 0 : i32
      %dma_start3A_872 = tpu.memref_slice %arg3[%select_n3A_844, %select_n3A_860, %dma_start3A_871] : memref<125000x8x56xf32, #tpu.memory_space<hbm>> -> memref<1x1x56xf32, #tpu.memory_space<hbm>>
      tpu.enqueue_dma source(%dma_start3A_872 : memref<1x1x56xf32, #tpu.memory_space<hbm>>) target(%dma_start3A_870 : memref<1x1x56xf32, #tpu.memory_space<vmem>>) target_semaphore(%arg12 : memref<!tpu.dma_semaphore, #tpu.memory_space<semaphore_mem>>)
      %add3A_873 = arith.constant 13 : i32
      %add3A_874 = arith.addi %mul3A_12, %add3A_873 : i32
      %get3A_875 = arith.index_cast %add3A_874 : i32 to index
      %get3A_876 = memref.load %arg11[%get3A_875] : memref<512xi32, #tpu.memory_space<smem>>
      %jit3A_877 = arith.constant 8 : i32
      %div3A_878 = arith.divsi %get3A_876, %jit3A_877 : i32
      %sign3A_879 = arith.constant 0 : i32
      %sign3A_880 = arith.cmpi sgt, %get3A_876, %sign3A_879 : i32
      %sign3A_881 = arith.extui %sign3A_880 : i1 to i32
      %sign3A_882 = arith.constant 0 : i32
      %sign3A_883 = arith.cmpi slt, %get3A_876, %sign3A_882 : i32
      %sign3A_884 = arith.extui %sign3A_883 : i1 to i32
      %sign3A_885 = arith.subi %sign3A_881, %sign3A_884 : i32
      %sign3A_886 = arith.constant 0 : i32
      %sign3A_887 = arith.cmpi sgt, %jit3A_877, %sign3A_886 : i32
      %sign3A_888 = arith.extui %sign3A_887 : i1 to i32
      %sign3A_889 = arith.constant 0 : i32
      %sign3A_890 = arith.cmpi slt, %jit3A_877, %sign3A_889 : i32
      %sign3A_891 = arith.extui %sign3A_890 : i1 to i32
      %sign3A_892 = arith.subi %sign3A_888, %sign3A_891 : i32
      %ne3A_893 = arith.cmpi ne, %sign3A_885, %sign3A_892 : i32
      %rem3A_894 = arith.remsi %get3A_876, %jit3A_877 : i32
      %ne3A_895 = arith.constant 0 : i32
      %ne3A_896 = arith.cmpi ne, %rem3A_894, %ne3A_895 : i32
      %and3A_897 = arith.andi %ne3A_893, %ne3A_896 : i1
      %sub3A_898 = arith.constant 1 : i32
      %sub3A_899 = arith.subi %div3A_878, %sub3A_898 : i32
      %select_n3A_900 = arith.select %and3A_897, %sub3A_899, %div3A_878 : i32
      %jit3A_901 = arith.constant 8 : i32
      %eq3A_902 = arith.constant 0 : i32
      %eq3A_903 = arith.cmpi eq, %jit3A_901, %eq3A_902 : i32
      %jit3A_904 = arith.constant 1 : i32
      %select_n3A_905 = arith.select %eq3A_903, %jit3A_904, %jit3A_901 : i32
      %rem3A_906 = arith.remsi %get3A_876, %select_n3A_905 : i32
      %ne3A_907 = arith.constant 0 : i32
      %ne3A_908 = arith.cmpi ne, %rem3A_906, %ne3A_907 : i32
      %lt3A_909 = arith.constant 0 : i32
      %lt3A_910 = arith.cmpi slt, %rem3A_906, %lt3A_909 : i32
      %lt3A_911 = arith.constant 0 : i32
      %lt3A_912 = arith.cmpi slt, %select_n3A_905, %lt3A_911 : i32
      %ne3A_913 = arith.xori %lt3A_910, %lt3A_912 : i1
      %and3A_914 = arith.andi %ne3A_913, %ne3A_908 : i1
      %add3A_915 = arith.addi %rem3A_906, %select_n3A_905 : i32
      %select_n3A_916 = arith.select %and3A_914, %add3A_915, %rem3A_906 : i32
      %dma_start3A_917 = arith.constant 13 : i32
      %dma_start3A_918 = arith.constant 0 : i32
      %dma_start3A_919 = arith.constant 0 : i32
      %dma_start3A_920 = tpu.memref_slice %arg7[%dma_start3A_917, %dma_start3A_918, %dma_start3A_919] : memref<16x8x56xf32, #tpu.memory_space<vmem>> -> memref<1x1x56xf32, #tpu.memory_space<vmem>>
      %dma_start3A_921 = arith.constant 0 : i32
      %dma_start3A_922 = tpu.memref_slice %arg3[%select_n3A_900, %select_n3A_916, %dma_start3A_921] : memref<125000x8x56xf32, #tpu.memory_space<hbm>> -> memref<1x1x56xf32, #tpu.memory_space<hbm>>
      %dma_start3A_923 = arith.constant 13 : i32
      %dma_start3A_924 = arith.constant 0 : i32
      %dma_start3A_925 = arith.constant 0 : i32
      %dma_start3A_926 = tpu.memref_slice %arg7[%dma_start3A_923, %dma_start3A_924, %dma_start3A_925] : memref<16x8x56xf32, #tpu.memory_space<vmem>> -> memref<1x1x56xf32, #tpu.memory_space<vmem>>
      %dma_start3A_927 = arith.constant 0 : i32
      %dma_start3A_928 = tpu.memref_slice %arg3[%select_n3A_900, %select_n3A_916, %dma_start3A_927] : memref<125000x8x56xf32, #tpu.memory_space<hbm>> -> memref<1x1x56xf32, #tpu.memory_space<hbm>>
      tpu.enqueue_dma source(%dma_start3A_928 : memref<1x1x56xf32, #tpu.memory_space<hbm>>) target(%dma_start3A_926 : memref<1x1x56xf32, #tpu.memory_space<vmem>>) target_semaphore(%arg13 : memref<!tpu.dma_semaphore, #tpu.memory_space<semaphore_mem>>)
      %add3A_929 = arith.constant 14 : i32
      %add3A_930 = arith.addi %mul3A_12, %add3A_929 : i32
      %get3A_931 = arith.index_cast %add3A_930 : i32 to index
      %get3A_932 = memref.load %arg11[%get3A_931] : memref<512xi32, #tpu.memory_space<smem>>
      %jit3A_933 = arith.constant 8 : i32
      %div3A_934 = arith.divsi %get3A_932, %jit3A_933 : i32
      %sign3A_935 = arith.constant 0 : i32
      %sign3A_936 = arith.cmpi sgt, %get3A_932, %sign3A_935 : i32
      %sign3A_937 = arith.extui %sign3A_936 : i1 to i32
      %sign3A_938 = arith.constant 0 : i32
      %sign3A_939 = arith.cmpi slt, %get3A_932, %sign3A_938 : i32
      %sign3A_940 = arith.extui %sign3A_939 : i1 to i32
      %sign3A_941 = arith.subi %sign3A_937, %sign3A_940 : i32
      %sign3A_942 = arith.constant 0 : i32
      %sign3A_943 = arith.cmpi sgt, %jit3A_933, %sign3A_942 : i32
      %sign3A_944 = arith.extui %sign3A_943 : i1 to i32
      %sign3A_945 = arith.constant 0 : i32
      %sign3A_946 = arith.cmpi slt, %jit3A_933, %sign3A_945 : i32
      %sign3A_947 = arith.extui %sign3A_946 : i1 to i32
      %sign3A_948 = arith.subi %sign3A_944, %sign3A_947 : i32
      %ne3A_949 = arith.cmpi ne, %sign3A_941, %sign3A_948 : i32
      %rem3A_950 = arith.remsi %get3A_932, %jit3A_933 : i32
      %ne3A_951 = arith.constant 0 : i32
      %ne3A_952 = arith.cmpi ne, %rem3A_950, %ne3A_951 : i32
      %and3A_953 = arith.andi %ne3A_949, %ne3A_952 : i1
      %sub3A_954 = arith.constant 1 : i32
      %sub3A_955 = arith.subi %div3A_934, %sub3A_954 : i32
      %select_n3A_956 = arith.select %and3A_953, %sub3A_955, %div3A_934 : i32
      %jit3A_957 = arith.constant 8 : i32
      %eq3A_958 = arith.constant 0 : i32
      %eq3A_959 = arith.cmpi eq, %jit3A_957, %eq3A_958 : i32
      %jit3A_960 = arith.constant 1 : i32
      %select_n3A_961 = arith.select %eq3A_959, %jit3A_960, %jit3A_957 : i32
      %rem3A_962 = arith.remsi %get3A_932, %select_n3A_961 : i32
      %ne3A_963 = arith.constant 0 : i32
      %ne3A_964 = arith.cmpi ne, %rem3A_962, %ne3A_963 : i32
      %lt3A_965 = arith.constant 0 : i32
      %lt3A_966 = arith.cmpi slt, %rem3A_962, %lt3A_965 : i32
      %lt3A_967 = arith.constant 0 : i32
      %lt3A_968 = arith.cmpi slt, %select_n3A_961, %lt3A_967 : i32
      %ne3A_969 = arith.xori %lt3A_966, %lt3A_968 : i1
      %and3A_970 = arith.andi %ne3A_969, %ne3A_964 : i1
      %add3A_971 = arith.addi %rem3A_962, %select_n3A_961 : i32
      %select_n3A_972 = arith.select %and3A_970, %add3A_971, %rem3A_962 : i32
      %dma_start3A_973 = arith.constant 14 : i32
      %dma_start3A_974 = arith.constant 0 : i32
      %dma_start3A_975 = arith.constant 0 : i32
      %dma_start3A_976 = tpu.memref_slice %arg7[%dma_start3A_973, %dma_start3A_974, %dma_start3A_975] : memref<16x8x56xf32, #tpu.memory_space<vmem>> -> memref<1x1x56xf32, #tpu.memory_space<vmem>>
      %dma_start3A_977 = arith.constant 0 : i32
      %dma_start3A_978 = tpu.memref_slice %arg3[%select_n3A_956, %select_n3A_972, %dma_start3A_977] : memref<125000x8x56xf32, #tpu.memory_space<hbm>> -> memref<1x1x56xf32, #tpu.memory_space<hbm>>
      %dma_start3A_979 = arith.constant 14 : i32
      %dma_start3A_980 = arith.constant 0 : i32
      %dma_start3A_981 = arith.constant 0 : i32
      %dma_start3A_982 = tpu.memref_slice %arg7[%dma_start3A_979, %dma_start3A_980, %dma_start3A_981] : memref<16x8x56xf32, #tpu.memory_space<vmem>> -> memref<1x1x56xf32, #tpu.memory_space<vmem>>
      %dma_start3A_983 = arith.constant 0 : i32
      %dma_start3A_984 = tpu.memref_slice %arg3[%select_n3A_956, %select_n3A_972, %dma_start3A_983] : memref<125000x8x56xf32, #tpu.memory_space<hbm>> -> memref<1x1x56xf32, #tpu.memory_space<hbm>>
      tpu.enqueue_dma source(%dma_start3A_984 : memref<1x1x56xf32, #tpu.memory_space<hbm>>) target(%dma_start3A_982 : memref<1x1x56xf32, #tpu.memory_space<vmem>>) target_semaphore(%arg14 : memref<!tpu.dma_semaphore, #tpu.memory_space<semaphore_mem>>)
      %add3A_985 = arith.constant 15 : i32
      %add3A_986 = arith.addi %mul3A_12, %add3A_985 : i32
      %get3A_987 = arith.index_cast %add3A_986 : i32 to index
      %get3A_988 = memref.load %arg11[%get3A_987] : memref<512xi32, #tpu.memory_space<smem>>
      %jit3A_989 = arith.constant 8 : i32
      %div3A_990 = arith.divsi %get3A_988, %jit3A_989 : i32
      %sign3A_991 = arith.constant 0 : i32
      %sign3A_992 = arith.cmpi sgt, %get3A_988, %sign3A_991 : i32
      %sign3A_993 = arith.extui %sign3A_992 : i1 to i32
      %sign3A_994 = arith.constant 0 : i32
      %sign3A_995 = arith.cmpi slt, %get3A_988, %sign3A_994 : i32
      %sign3A_996 = arith.extui %sign3A_995 : i1 to i32
      %sign3A_997 = arith.subi %sign3A_993, %sign3A_996 : i32
      %sign3A_998 = arith.constant 0 : i32
      %sign3A_999 = arith.cmpi sgt, %jit3A_989, %sign3A_998 : i32
      %sign3A_1000 = arith.extui %sign3A_999 : i1 to i32
      %sign3A_1001 = arith.constant 0 : i32
      %sign3A_1002 = arith.cmpi slt, %jit3A_989, %sign3A_1001 : i32
      %sign3A_1003 = arith.extui %sign3A_1002 : i1 to i32
      %sign3A_1004 = arith.subi %sign3A_1000, %sign3A_1003 : i32
      %ne3A_1005 = arith.cmpi ne, %sign3A_997, %sign3A_1004 : i32
      %rem3A_1006 = arith.remsi %get3A_988, %jit3A_989 : i32
      %ne3A_1007 = arith.constant 0 : i32
      %ne3A_1008 = arith.cmpi ne, %rem3A_1006, %ne3A_1007 : i32
      %and3A_1009 = arith.andi %ne3A_1005, %ne3A_1008 : i1
      %sub3A_1010 = arith.constant 1 : i32
      %sub3A_1011 = arith.subi %div3A_990, %sub3A_1010 : i32
      %select_n3A_1012 = arith.select %and3A_1009, %sub3A_1011, %div3A_990 : i32
      %jit3A_1013 = arith.constant 8 : i32
      %eq3A_1014 = arith.constant 0 : i32
      %eq3A_1015 = arith.cmpi eq, %jit3A_1013, %eq3A_1014 : i32
      %jit3A_1016 = arith.constant 1 : i32
      %select_n3A_1017 = arith.select %eq3A_1015, %jit3A_1016, %jit3A_1013 : i32
      %rem3A_1018 = arith.remsi %get3A_988, %select_n3A_1017 : i32
      %ne3A_1019 = arith.constant 0 : i32
      %ne3A_1020 = arith.cmpi ne, %rem3A_1018, %ne3A_1019 : i32
      %lt3A_1021 = arith.constant 0 : i32
      %lt3A_1022 = arith.cmpi slt, %rem3A_1018, %lt3A_1021 : i32
      %lt3A_1023 = arith.constant 0 : i32
      %lt3A_1024 = arith.cmpi slt, %select_n3A_1017, %lt3A_1023 : i32
      %ne3A_1025 = arith.xori %lt3A_1022, %lt3A_1024 : i1
      %and3A_1026 = arith.andi %ne3A_1025, %ne3A_1020 : i1
      %add3A_1027 = arith.addi %rem3A_1018, %select_n3A_1017 : i32
      %select_n3A_1028 = arith.select %and3A_1026, %add3A_1027, %rem3A_1018 : i32
      %dma_start3A_1029 = arith.constant 15 : i32
      %dma_start3A_1030 = arith.constant 0 : i32
      %dma_start3A_1031 = arith.constant 0 : i32
      %dma_start3A_1032 = tpu.memref_slice %arg7[%dma_start3A_1029, %dma_start3A_1030, %dma_start3A_1031] : memref<16x8x56xf32, #tpu.memory_space<vmem>> -> memref<1x1x56xf32, #tpu.memory_space<vmem>>
      %dma_start3A_1033 = arith.constant 0 : i32
      %dma_start3A_1034 = tpu.memref_slice %arg3[%select_n3A_1012, %select_n3A_1028, %dma_start3A_1033] : memref<125000x8x56xf32, #tpu.memory_space<hbm>> -> memref<1x1x56xf32, #tpu.memory_space<hbm>>
      %dma_start3A_1035 = arith.constant 15 : i32
      %dma_start3A_1036 = arith.constant 0 : i32
      %dma_start3A_1037 = arith.constant 0 : i32
      %dma_start3A_1038 = tpu.memref_slice %arg7[%dma_start3A_1035, %dma_start3A_1036, %dma_start3A_1037] : memref<16x8x56xf32, #tpu.memory_space<vmem>> -> memref<1x1x56xf32, #tpu.memory_space<vmem>>
      %dma_start3A_1039 = arith.constant 0 : i32
      %dma_start3A_1040 = tpu.memref_slice %arg3[%select_n3A_1012, %select_n3A_1028, %dma_start3A_1039] : memref<125000x8x56xf32, #tpu.memory_space<hbm>> -> memref<1x1x56xf32, #tpu.memory_space<hbm>>
      tpu.enqueue_dma source(%dma_start3A_1040 : memref<1x1x56xf32, #tpu.memory_space<hbm>>) target(%dma_start3A_1038 : memref<1x1x56xf32, #tpu.memory_space<vmem>>) target_semaphore(%arg15 : memref<!tpu.dma_semaphore, #tpu.memory_space<semaphore_mem>>)
      %dma_wait3A_1041 = arith.constant 12 : i32
      %dma_wait3A_1042 = arith.constant 0 : i32
      %dma_wait3A_1043 = arith.constant 0 : i32
      %dma_wait3A_1044 = tpu.memref_slice %arg7[%dma_wait3A_1041, %dma_wait3A_1042, %dma_wait3A_1043] : memref<16x8x56xf32, #tpu.memory_space<vmem>> -> memref<1x1x56xf32, #tpu.memory_space<vmem>>
      %dma_wait3A_1045 = arith.constant 0 : i32
      %dma_wait3A_1046 = tpu.memref_slice %arg3[%select_n3A_844, %select_n3A_860, %dma_wait3A_1045] : memref<125000x8x56xf32, #tpu.memory_space<hbm>> -> memref<1x1x56xf32, #tpu.memory_space<hbm>>
      %dma_wait3A_1047 = arith.constant 12 : i32
      %dma_wait3A_1048 = arith.constant 0 : i32
      %dma_wait3A_1049 = arith.constant 0 : i32
      %dma_wait3A_1050 = tpu.memref_slice %arg7[%dma_wait3A_1047, %dma_wait3A_1048, %dma_wait3A_1049] : memref<16x8x56xf32, #tpu.memory_space<vmem>> -> memref<1x1x56xf32, #tpu.memory_space<vmem>>
      %dma_wait3A_1051 = arith.constant 0 : i32
      %dma_wait3A_1052 = tpu.memref_slice %arg3[%select_n3A_844, %select_n3A_860, %dma_wait3A_1051] : memref<125000x8x56xf32, #tpu.memory_space<hbm>> -> memref<1x1x56xf32, #tpu.memory_space<hbm>>
      tpu.wait_dma2 semaphore(%arg12 : memref<!tpu.dma_semaphore, #tpu.memory_space<semaphore_mem>>) src(%dma_wait3A_1052 : memref<1x1x56xf32, #tpu.memory_space<hbm>>) dst(%dma_wait3A_1050 : memref<1x1x56xf32, #tpu.memory_space<vmem>>)
      %dma_wait3A_1053 = arith.constant 13 : i32
      %dma_wait3A_1054 = arith.constant 0 : i32
      %dma_wait3A_1055 = arith.constant 0 : i32
      %dma_wait3A_1056 = tpu.memref_slice %arg7[%dma_wait3A_1053, %dma_wait3A_1054, %dma_wait3A_1055] : memref<16x8x56xf32, #tpu.memory_space<vmem>> -> memref<1x1x56xf32, #tpu.memory_space<vmem>>
      %dma_wait3A_1057 = arith.constant 0 : i32
      %dma_wait3A_1058 = tpu.memref_slice %arg3[%select_n3A_900, %select_n3A_916, %dma_wait3A_1057] : memref<125000x8x56xf32, #tpu.memory_space<hbm>> -> memref<1x1x56xf32, #tpu.memory_space<hbm>>
      %dma_wait3A_1059 = arith.constant 13 : i32
      %dma_wait3A_1060 = arith.constant 0 : i32
      %dma_wait3A_1061 = arith.constant 0 : i32
      %dma_wait3A_1062 = tpu.memref_slice %arg7[%dma_wait3A_1059, %dma_wait3A_1060, %dma_wait3A_1061] : memref<16x8x56xf32, #tpu.memory_space<vmem>> -> memref<1x1x56xf32, #tpu.memory_space<vmem>>
      %dma_wait3A_1063 = arith.constant 0 : i32
      %dma_wait3A_1064 = tpu.memref_slice %arg3[%select_n3A_900, %select_n3A_916, %dma_wait3A_1063] : memref<125000x8x56xf32, #tpu.memory_space<hbm>> -> memref<1x1x56xf32, #tpu.memory_space<hbm>>
      tpu.wait_dma2 semaphore(%arg13 : memref<!tpu.dma_semaphore, #tpu.memory_space<semaphore_mem>>) src(%dma_wait3A_1064 : memref<1x1x56xf32, #tpu.memory_space<hbm>>) dst(%dma_wait3A_1062 : memref<1x1x56xf32, #tpu.memory_space<vmem>>)
      %dma_wait3A_1065 = arith.constant 14 : i32
      %dma_wait3A_1066 = arith.constant 0 : i32
      %dma_wait3A_1067 = arith.constant 0 : i32
      %dma_wait3A_1068 = tpu.memref_slice %arg7[%dma_wait3A_1065, %dma_wait3A_1066, %dma_wait3A_1067] : memref<16x8x56xf32, #tpu.memory_space<vmem>> -> memref<1x1x56xf32, #tpu.memory_space<vmem>>
      %dma_wait3A_1069 = arith.constant 0 : i32
      %dma_wait3A_1070 = tpu.memref_slice %arg3[%select_n3A_956, %select_n3A_972, %dma_wait3A_1069] : memref<125000x8x56xf32, #tpu.memory_space<hbm>> -> memref<1x1x56xf32, #tpu.memory_space<hbm>>
      %dma_wait3A_1071 = arith.constant 14 : i32
      %dma_wait3A_1072 = arith.constant 0 : i32
      %dma_wait3A_1073 = arith.constant 0 : i32
      %dma_wait3A_1074 = tpu.memref_slice %arg7[%dma_wait3A_1071, %dma_wait3A_1072, %dma_wait3A_1073] : memref<16x8x56xf32, #tpu.memory_space<vmem>> -> memref<1x1x56xf32, #tpu.memory_space<vmem>>
      %dma_wait3A_1075 = arith.constant 0 : i32
      %dma_wait3A_1076 = tpu.memref_slice %arg3[%select_n3A_956, %select_n3A_972, %dma_wait3A_1075] : memref<125000x8x56xf32, #tpu.memory_space<hbm>> -> memref<1x1x56xf32, #tpu.memory_space<hbm>>
      tpu.wait_dma2 semaphore(%arg14 : memref<!tpu.dma_semaphore, #tpu.memory_space<semaphore_mem>>) src(%dma_wait3A_1076 : memref<1x1x56xf32, #tpu.memory_space<hbm>>) dst(%dma_wait3A_1074 : memref<1x1x56xf32, #tpu.memory_space<vmem>>)
      %dma_wait3A_1077 = arith.constant 15 : i32
      %dma_wait3A_1078 = arith.constant 0 : i32
      %dma_wait3A_1079 = arith.constant 0 : i32
      %dma_wait3A_1080 = tpu.memref_slice %arg7[%dma_wait3A_1077, %dma_wait3A_1078, %dma_wait3A_1079] : memref<16x8x56xf32, #tpu.memory_space<vmem>> -> memref<1x1x56xf32, #tpu.memory_space<vmem>>
      %dma_wait3A_1081 = arith.constant 0 : i32
      %dma_wait3A_1082 = tpu.memref_slice %arg3[%select_n3A_1012, %select_n3A_1028, %dma_wait3A_1081] : memref<125000x8x56xf32, #tpu.memory_space<hbm>> -> memref<1x1x56xf32, #tpu.memory_space<hbm>>
      %dma_wait3A_1083 = arith.constant 15 : i32
      %dma_wait3A_1084 = arith.constant 0 : i32
      %dma_wait3A_1085 = arith.constant 0 : i32
      %dma_wait3A_1086 = tpu.memref_slice %arg7[%dma_wait3A_1083, %dma_wait3A_1084, %dma_wait3A_1085] : memref<16x8x56xf32, #tpu.memory_space<vmem>> -> memref<1x1x56xf32, #tpu.memory_space<vmem>>
      %dma_wait3A_1087 = arith.constant 0 : i32
      %dma_wait3A_1088 = tpu.memref_slice %arg3[%select_n3A_1012, %select_n3A_1028, %dma_wait3A_1087] : memref<125000x8x56xf32, #tpu.memory_space<hbm>> -> memref<1x1x56xf32, #tpu.memory_space<hbm>>
      tpu.wait_dma2 semaphore(%arg15 : memref<!tpu.dma_semaphore, #tpu.memory_space<semaphore_mem>>) src(%dma_wait3A_1088 : memref<1x1x56xf32, #tpu.memory_space<hbm>>) dst(%dma_wait3A_1086 : memref<1x1x56xf32, #tpu.memory_space<vmem>>)
      %scan3A_1089 = arith.constant 0 : i32
      %scan3A_1090 = arith.constant 0 : i32
      %scan3A_1091 = arith.constant 16 : i32
      %scan3A_1092 = arith.addi %scan3A_1090, %scan3A_1091 : i32
      %scan3A_1093 = arith.constant 1 : i32
      scf.for %scan3A_1095 = %scan3A_1090 to %scan3A_1092 step %scan3A_1093  : i32 {
        %add3A_1096 = arith.addi %mul3A_12, %scan3A_1095 : i32
        %swap3A = arith.index_cast %add3A_1096 : i32 to index
        %swap3A_1097 = arith.constant 48 : index
        %swap3A_1098 = tpu.vector_load %arg8[%swap3A, %swap3A_1097] {strides = array<i32>} : memref<512x64xf32, #tpu.memory_space<vmem>>, vector<1x16xf32>,
        %swap3A_1099 = vector.shape_cast %swap3A_1098 : vector<1x16xf32> to vector<16xf32>
        %swap3A_1100 = vector.shape_cast %get3A_4 : vector<16xf32> to vector<1x16xf32>
        tpu.vector_store %arg8[%swap3A, %swap3A_1097], %swap3A_1100 {strides = array<i32>} : memref<512x64xf32, #tpu.memory_space<vmem>>, vector<1x16xf32>,
        %get3A_1101 = arith.constant 0 : i32
        %get3A_1102 = arith.index_cast %scan3A_1095 : i32 to index
        %get3A_1103 = arith.index_cast %get3A_1101 : i32 to index
        %get3A_1104 = arith.constant 0 : index
        %get3A_1105 = tpu.vector_load %arg7[%get3A_1102, %get3A_1103, %get3A_1104] {strides = array<i32>} : memref<16x8x56xf32, #tpu.memory_space<vmem>>, vector<1x1x16xf32>,
        %get3A_1106 = vector.shape_cast %get3A_1105 : vector<1x1x16xf32> to vector<16xf32>
        %swap3A_1107 = arith.index_cast %add3A_1096 : i32 to index
        %swap3A_1108 = arith.constant 0 : index
        %swap3A_1109 = tpu.vector_load %arg8[%swap3A_1107, %swap3A_1108] {strides = array<i32>} : memref<512x64xf32, #tpu.memory_space<vmem>>, vector<1x16xf32>,
        %swap3A_1110 = vector.shape_cast %swap3A_1109 : vector<1x16xf32> to vector<16xf32>
        %swap3A_1111 = vector.shape_cast %get3A_1106 : vector<16xf32> to vector<1x16xf32>
        tpu.vector_store %arg8[%swap3A_1107, %swap3A_1108], %swap3A_1111 {strides = array<i32>} : memref<512x64xf32, #tpu.memory_space<vmem>>, vector<1x16xf32>,
        %get3A_1112 = arith.constant 0 : i32
        %get3A_1113 = arith.index_cast %scan3A_1095 : i32 to index
        %get3A_1114 = arith.index_cast %get3A_1112 : i32 to index
        %get3A_1115 = arith.constant 16 : index
        %get3A_1116 = tpu.vector_load %arg7[%get3A_1113, %get3A_1114, %get3A_1115] {strides = array<i32>} : memref<16x8x56xf32, #tpu.memory_space<vmem>>, vector<1x1x16xf32>,
        %get3A_1117 = vector.shape_cast %get3A_1116 : vector<1x1x16xf32> to vector<16xf32>
        %swap3A_1118 = arith.index_cast %add3A_1096 : i32 to index
        %swap3A_1119 = arith.constant 16 : index
        %swap3A_1120 = tpu.vector_load %arg8[%swap3A_1118, %swap3A_1119] {strides = array<i32>} : memref<512x64xf32, #tpu.memory_space<vmem>>, vector<1x16xf32>,
        %swap3A_1121 = vector.shape_cast %swap3A_1120 : vector<1x16xf32> to vector<16xf32>
        %swap3A_1122 = vector.shape_cast %get3A_1117 : vector<16xf32> to vector<1x16xf32>
        tpu.vector_store %arg8[%swap3A_1118, %swap3A_1119], %swap3A_1122 {strides = array<i32>} : memref<512x64xf32, #tpu.memory_space<vmem>>, vector<1x16xf32>,
        %get3A_1123 = arith.constant 0 : i32
        %get3A_1124 = arith.index_cast %scan3A_1095 : i32 to index
        %get3A_1125 = arith.index_cast %get3A_1123 : i32 to index
        %get3A_1126 = arith.constant 32 : index
        %get3A_1127 = tpu.vector_load %arg7[%get3A_1124, %get3A_1125, %get3A_1126] {strides = array<i32>} : memref<16x8x56xf32, #tpu.memory_space<vmem>>, vector<1x1x16xf32>,
        %get3A_1128 = vector.shape_cast %get3A_1127 : vector<1x1x16xf32> to vector<16xf32>
        %swap3A_1129 = arith.index_cast %add3A_1096 : i32 to index
        %swap3A_1130 = arith.constant 32 : index
        %swap3A_1131 = tpu.vector_load %arg8[%swap3A_1129, %swap3A_1130] {strides = array<i32>} : memref<512x64xf32, #tpu.memory_space<vmem>>, vector<1x16xf32>,
        %swap3A_1132 = vector.shape_cast %swap3A_1131 : vector<1x16xf32> to vector<16xf32>
        %swap3A_1133 = vector.shape_cast %get3A_1128 : vector<16xf32> to vector<1x16xf32>
        tpu.vector_store %arg8[%swap3A_1129, %swap3A_1130], %swap3A_1133 {strides = array<i32>} : memref<512x64xf32, #tpu.memory_space<vmem>>, vector<1x16xf32>,
        %get3A_1134 = arith.constant 0 : i32
        %get3A_1135 = arith.index_cast %scan3A_1095 : i32 to index
        %get3A_1136 = arith.index_cast %get3A_1134 : i32 to index
        %get3A_1137 = arith.constant 40 : index
        %get3A_1138 = tpu.vector_load %arg7[%get3A_1135, %get3A_1136, %get3A_1137] {strides = array<i32>} : memref<16x8x56xf32, #tpu.memory_space<vmem>>, vector<1x1x16xf32>,
        %get3A_1139 = vector.shape_cast %get3A_1138 : vector<1x1x16xf32> to vector<16xf32>
        %swap3A_1140 = arith.index_cast %add3A_1096 : i32 to index
        %swap3A_1141 = arith.constant 40 : index
        %swap3A_1142 = tpu.vector_load %arg8[%swap3A_1140, %swap3A_1141] {strides = array<i32>} : memref<512x64xf32, #tpu.memory_space<vmem>>, vector<1x16xf32>,
        %swap3A_1143 = vector.shape_cast %swap3A_1142 : vector<1x16xf32> to vector<16xf32>
        %swap3A_1144 = vector.shape_cast %get3A_1139 : vector<16xf32> to vector<1x16xf32>
        tpu.vector_store %arg8[%swap3A_1140, %swap3A_1141], %swap3A_1144 {strides = array<i32>} : memref<512x64xf32, #tpu.memory_space<vmem>>, vector<1x16xf32>,
      }
      %scan3A_1094 = arith.constant 16 : i32
    }
    %scan3A_9 = arith.constant 32 : i32
    "tpu.region"() ({
      %run_scoped3A = tpu.sem_alloc : memref<!tpu.dma_semaphore, #tpu.memory_space<semaphore_mem>>
      %dma_start3A = arith.constant 0 : i32
      %dma_start3A_10 = tpu.memref_slice %arg5[%mul3A_2, %dma_start3A] : memref<16384x64xf32, #tpu.memory_space<hbm>> -> memref<512x64xf32, #tpu.memory_space<hbm>>
      %dma_start3A_11 = arith.constant 0 : i32
      %dma_start3A_12 = tpu.memref_slice %arg5[%mul3A_2, %dma_start3A_11] : memref<16384x64xf32, #tpu.memory_space<hbm>> -> memref<512x64xf32, #tpu.memory_space<hbm>>
      tpu.enqueue_dma source(%arg8 : memref<512x64xf32, #tpu.memory_space<vmem>>) target(%dma_start3A_12 : memref<512x64xf32, #tpu.memory_space<hbm>>) target_semaphore(%run_scoped3A : memref<!tpu.dma_semaphore, #tpu.memory_space<semaphore_mem>>)
      %dma_wait3A = arith.constant 0 : i32
      %dma_wait3A_13 = tpu.memref_slice %arg5[%mul3A_2, %dma_wait3A] : memref<16384x64xf32, #tpu.memory_space<hbm>> -> memref<512x64xf32, #tpu.memory_space<hbm>>
      %dma_wait3A_14 = arith.constant 0 : i32
      %dma_wait3A_15 = tpu.memref_slice %arg5[%mul3A_2, %dma_wait3A_14] : memref<16384x64xf32, #tpu.memory_space<hbm>> -> memref<512x64xf32, #tpu.memory_space<hbm>>
      tpu.wait_dma2 semaphore(%run_scoped3A : memref<!tpu.dma_semaphore, #tpu.memory_space<semaphore_mem>>) src(%arg8 : memref<512x64xf32, #tpu.memory_space<vmem>>) dst(%dma_wait3A_15 : memref<512x64xf32, #tpu.memory_space<hbm>>)
      tpu.yield
    }) : () -> ()
    return
  }
}

</mosaic_0001>

<sc_bundles>
// kernel: kernel.3.cloned.1.call-start
scs
__scs_entry_jumppad:
0x0: {  	(pc) =	sbr.rel $0x88, $3  }
0x1: {  	(tag) =	ssettag $0x0;
	lr =	simm.s32 $0x1  }
0x2: {  	[smem:$0x3F9E] =	sst lr;
	_ =	strace $0xD0000000  }
0x3: {  	_ = 	snop  }
0x4: {  	_ = 	snop  }
0x5: {  	_ = 	snop  }
0x6: {  	_ = 	snop  }
0x7: {  	_ = 	snop  }
__scs_overlays_trampoline_lowered:
0x8: {  	[smem:$0x3FAD] =	sst s0  }
0x9: {  	[smem:$0x3FAE] =	sst s1  }
0xa: {  	[smem:$0x3FAF] =	sst s2  }
0xb: {  	[smem:$0x3FB0] =	sst s3  }
0xc: {  	[smem:$0x3FB1] =	sst s4  }
0xd: {  	[smem:$0x3FB2] =	sst s5  }
0xe: {  	[smem:$0x3FB3] =	sst s6  }
0xf: {  	[smem:$0x3FB4] =	sst s7  }
0x10: {  	[smem:$0x3FB5] =	sst s8  }
0x11: {  	[smem:$0x3FB6] =	sst s9;
	s0 =	simm.s32 @!p0 $0x0  }
0x12: {  	s1 =	sld [smem:$0x3F9C];
	s0 =	simm.s32 @p0 $0x1  }
0x13: {  	[smem:$0x3FB7] =	sst s0;
	s0 =	simm.s32 @!p1 $0x0  }
0x14: {  	s2 =	sld [smem:$0x3F9B];
	s0 =	simm.s32 @p1 $0x1  }
0x15: {  	[smem:$0x3FB8] =	sst s0;
	s0 =	simm.s32 @!p2 $0x0  }
0x16: {  	s3 =	sld [smem:$0x3FDB];
	s0 =	simm.s32 @p2 $0x1  }
0x17: {  	s4 =	simm.s32 $0x1BF5;
	[smem:$0x3FBA] =	sst s0  }
0x18: {  	s0 =	sld [smem:$0x3F9D];
	_ =	swait.ge [sflag:s4], $0x0  }
0x19: {  	s7 =	sld [smem:$0x3F9E]  }
0x1a: {  	s8 =	sadd.s32 $0xFFFFE003, lr  }
0x1b: {  	s9 =	sadd.s32 $0xFFFFFEF7, lr;
	s5 =	simm.s32 $0xFFFFFFFF;
	p2 =	slt.u32 s8, $0xFFFFF086  }
0x1c: {  	p1 =	slt.u32 s9, $0xF7A;
	s5 =	simm.s32 @!p2 $0x0  }
0x1d: {  	s5 =	simm.s32 @p1 $0x1;
	p0 =	seq.s32 s7, s2  }
0x1e: {  	s7 =	smul.u32 @!p0 $0xF7A, s2;
	p2 =	seq.s32 @!p0 s5, $0x0  }
0x1f: {  	s9 =	smul.u32 $0xF7A, s1;
	s8 =	simm.s32 @!p0 $0x1BF5;
	p2 =	por !p2, p0  }
0x20: {  	[sflag:s8] =	ssyncset.s32 @!p0 $0xFFFFF086;
	s6 =	sadd.s32 @!p0 s3, s7;
	s7 =	simm.s32 @!p0 $0x108  }
0x21: {  	s3 =	sadd.s32 s3, s9;
	s6 =	sadd.s32 @!p0 $0x88, s6;
	s7 =	simm.s32 @p2 $0x1082  }
0x22: {  	[simem:s7], [sflag:s8] =	dma.local @!p0 [hbm:s6], $0xF7A  }
0x23: {  	s9 =	sor.u32 $0xD0000000, s2;
	s6 =	simm.s32 $0x108;
	_ =	swait.ge @!p0 [sflag:s8], $0x0  }
0x24: {  	s3 =	sadd.s32 $0x88, s3;
	s6 =	simm.s32 @!p1 $0x1082;
	[sflag:s4] =	ssyncset.s32 $0xFFFFF086  }
0x25: {  	[simem:s6], [sflag:s4] =	dma.local [hbm:s3], $0xF7A  }
0x26: {  	[smem:$0x3F9E] =	sst s1;
	(tag) =	ssettag s2;
	_ =	strace s9  }
0x27: {  	s1 =	sld [smem:$0x3FAE]  }
0x28: {  	s2 =	sld [smem:$0x3FAF]  }
0x29: {  	s4 =	sld [smem:$0x3FB1]  }
0x2a: {  	p0 =	seq.s32 s5, $0x0;
	s5 =	sld [smem:$0x3FB2]  }
0x2b: {  	s6 =	sld [smem:$0x3FB3]  }
0x2c: {  	s7 =	sld [smem:$0x3FB4]  }
0x2d: {  	s3 =	simm.s32 $0x108;
	s8 =	sld [smem:$0x3FB5]  }
0x2e: {  	s3 =	simm.s32 @!p0 $0x1082;
	s9 =	sld [smem:$0x3FB6]  }
0x2f: {  	lr =	sadd.s32 s0, s3;
	s0 =	sld [smem:$0x3FAD]  }
0x30: {  	s3 =	sld [smem:$0x3FB0]  }
0x31: {  	[smem:$0x3FB9] =	sst s10  }
0x32: {  	s10 =	sld [smem:$0x3FB7];
	_ =	sdelay $0x3  }
0x33: {  	p0 =	seq.s32 s10, $0x1;
	s10 =	sld [smem:$0x3FB9];
	_ =	sdelay $0x3  }
0x34: {  	[smem:$0x3FB9] =	sst s10  }
0x35: {  	s10 =	sld [smem:$0x3FB8];
	_ =	sdelay $0x3  }
0x36: {  	p1 =	seq.s32 s10, $0x1;
	s10 =	sld [smem:$0x3FB9];
	_ =	sdelay $0x3  }
0x37: {  	[smem:$0x3FB9] =	sst s10  }
0x38: {  	s10 =	sld [smem:$0x3FBA]  }
0x39: {  	_ = 	snop;
	(pc) =	sbr.ind lr, $3  }
0x3a: {  	_ = 	snop  }
0x3b: {  	_ = 	snop  }
0x3c: {  	p2 =	seq.s32 s10, $0x1;
	s10 =	sld [smem:$0x3FB9]  }
0x3d: {  	_ =	shalt  }
0x3e: {  	_ =	shalt  }
0x3f: {  	_ =	shalt  }
0x40: {  	_ =	shalt  }
0x41: {  	_ =	shalt  }
0x42: {  	_ =	shalt  }
0x43: {  	_ =	shalt  }
0x44: {  	_ =	shalt  }
0x45: {  	_ =	shalt  }
0x46: {  	_ =	shalt  }
0x47: {  	_ =	shalt  }
0x48: {  	_ =	shalt  }
0x49: {  	_ =	shalt  }
0x4a: {  	_ =	shalt  }
0x4b: {  	_ =	shalt  }
0x4c: {  	_ =	shalt  }
0x4d: {  	_ =	shalt  }
0x4e: {  	_ =	shalt  }
0x4f: {  	_ =	shalt  }
0x50: {  	_ =	shalt  }
0x51: {  	_ =	shalt  }
0x52: {  	_ =	shalt  }
0x53: {  	_ =	shalt  }
0x54: {  	_ =	shalt  }
0x55: {  	_ =	shalt  }
0x56: {  	_ =	shalt  }
0x57: {  	_ =	shalt  }
0x58: {  	_ =	shalt  }
0x59: {  	_ =	shalt  }
0x5a: {  	_ =	shalt  }
0x5b: {  	_ =	shalt  }
0x5c: {  	_ =	shalt  }
0x5d: {  	_ =	shalt  }
0x5e: {  	_ =	shalt  }
0x5f: {  	_ =	shalt  }
0x60: {  	_ =	shalt  }
0x61: {  	_ =	shalt  }
0x62: {  	_ =	shalt  }
0x63: {  	_ =	shalt  }
0x64: {  	_ =	shalt  }
0x65: {  	_ =	shalt  }
0x66: {  	_ =	shalt  }
0x67: {  	_ =	shalt  }
0x68: {  	_ =	shalt  }
0x69: {  	_ =	shalt  }
0x6a: {  	_ =	shalt  }
0x6b: {  	_ =	shalt  }
0x6c: {  	_ =	shalt  }
0x6d: {  	_ =	shalt  }
0x6e: {  	_ =	shalt  }
0x6f: {  	_ =	shalt  }
0x70: {  	_ =	shalt  }
0x71: {  	_ =	shalt  }
0x72: {  	_ =	shalt  }
0x73: {  	_ =	shalt  }
0x74: {  	_ =	shalt  }
0x75: {  	_ =	shalt  }
0x76: {  	_ =	shalt  }
0x77: {  	_ =	shalt  }
0x78: {  	_ =	shalt  }
0x79: {  	_ =	shalt  }
0x7a: {  	_ =	shalt  }
0x7b: {  	_ =	shalt  }
0x7c: {  	_ =	shalt  }
0x7d: {  	_ =	shalt  }
0x7e: {  	_ =	shalt  }
0x7f: {  	_ =	shalt  }
0x80: {  	_ =	shalt  }
0x81: {  	_ =	shalt  }
0x82: {  	_ =	shalt  }
0x83: {  	_ =	shalt  }
0x84: {  	_ =	shalt  }
0x85: {  	_ =	shalt  }
0x86: {  	_ =	shalt  }
0x87: {  	_ =	shalt  }
.Lfunc_end0:
.L_simem_size_0:
called_computation_lowered:
.L_overlay_start_0:
0x88: {  	s2 =	sld [smem:$0x3FD9]  }
0x89: {  	s3 =	sld [smem:$0x3FFE];
	_ =	sdelay $0x1  }
0x8a: {  	s1 =	srdreg.scid  }
0x8b: {  	s0 =	sand.u32 $0x1, s1  }
0x8c: {  	s17 =	sshll.u32 s0, $0xA;
	s2 =	sadd.s32 s3, s2  }
0x8d: {  	s2 =	sadd.s32 s2, s17  }
0x8e: {  	[smem:$0x3FC5] =	sst s2  }
0x8f: {  	_ = 	snop  }
0x90: {  	s2 =	sld [smem:$0x3FC9]  }
0x91: {  	s18 =	sld [smem:$0x3FD0];
	(tm) =	ssettm $0x1  }
0x92: {  	s4 =	sld [smem:$0x3FFB];
	_ =	sdelay $0x3  }
0x93: {  	_ =	strace s4  }
0x94: {  	s4 =	sld [smem:$0x3FFC];
	_ =	sdelay $0x3  }
0x95: {  	_ =	strace s4  }
0x96: {  	s4 =	sld [smem:$0x3FFD];
	_ =	sdelay $0x3  }
0x97: {  	_ =	strace s4  }
0x98: {  	_ =	strace $0x8FFFFFFF  }
0x99: {  	s19 =	sld [smem:$0x3FDB];
	_ =	sdelay $0x1  }
0x9a: {  	s5 =	simm.s32 $_scs_section_size  }
0x9b: {  	s6 =	simm.s32 $_size__tile_overlayer_lowered;
	s7 =	simm.s32 $_tile_overlayer_lowered  }
0x9c: {  	s22 =	simm.s32 $0x1BFF;
	s21 =	sshll.u32 s7, $0x1;
	s4 =	sadd.s32 s5, s19  }
0x9d: {  	s8 =	simm.s32 $0x0;
	s20 =	sshll.u32 s6, $0x1;
	s6 =	sadd.s32 s21, s4  }
0x9e: {  	[timem:s8], [sflag:s22] =	dma.local [hbm:s6], s20  }
0x9f: {  	_ =	swait.ge [sflag:s22], s20  }
0xa0: {  	s5 =	ssub.s32 $0x0, s20;
	[sflag:s22] =	ssyncset.done $0x0  }
0xa1: {  	[sflag:s22] =	ssyncadd.s32 s5;
	_ =	sdelay $0x1  }
0xa2: {  	s23 =	simm.s32 $0x1B8B  }
0xa3: {  	_ =	swait.ge [sflag:s23], $0x1  }
0xa4: {  	[sflag:s23] =	ssyncset.done $0x0  }
0xa5: {  	s25 =	simm.s32 $0x1B8E;
	s24 =	sld [smem:$0x3FFE];
	[sflag:s23] =	ssyncadd.s32 $0xFFFFFFFF  }
0xa6: {  	s26 =	simm.s32 $execute0_lowered;
	[smem:$0x3FD2] =	sst s25  }
0xa7: {  	s6 =	sshll.u32 s26, $0x1;
	_ =	strace $0x80000046;
	[dreg:$0x1] =	wrdreg $0xFFFFFFFF  }
0xa8: {  	s28 =	simm.s32 $_size_execute0_lowered;
	s4 =	sadd.s32 s4, s6;
	[dreg:$0x0] =	wrdreg $0x0  }
0xa9: {  	s6 =	sshll.u32 s28, $0x1;
	[dreg:$0x2] =	wrdreg s4  }
0xaa: {  	[dreg:$0x3] =	wrdreg s6  }
0xab: {  	[dreg:$0x4] =	wrdreg $0xC0  }
0xac: {  	_ =	task [dreg:s8], $0x5FFFF  }
0xad: {  	[dreg:$0x1] =	wrdreg $0xFFFFFFFF  }
0xae: {  	[dreg:$0x0] =	wrdreg $0x60  }
0xaf: {  	[dreg:$0x2] =	wrdreg s2  }
0xb0: {  	[dreg:$0x3] =	wrdreg s24  }
0xb1: {  	[dreg:$0x4] =	wrdreg s18  }
0xb2: {  	[dreg:$0x5] =	wrdreg $0x142800  }
0xb3: {  	[dreg:$0x6] =	wrdreg $0x9  }
0xb4: {  	_ =	task.clear_ibuf [dreg:s8], $0x7FFFF;
	_ =	strace $0x90000046  }
0xb5: {  	s29 =	simm.s32 $0x9;
	_ =	strace $0x80000048  }
0xb6: {  	_ =	swait.ge [sflag:s29], $0x1  }
0xb7: {  	[sflag:s29] =	ssyncadd.s32 $0xFFFFFFFF  }
0xb8: {  	_ =	strace $0x90000048  }
0xb9: {  	_ =	sfence  }
0xba: {  	s30 =	sld [smem:$0x0];
	_ =	sdelay $0x2  }
0xbb: {  	s31 =	sshll.u32 s1, $0xD;
	s1 =	sshrl.u32 s1, $0x2  }
0xbc: {  	s3 =	sand.u32 $0x4000, s31;
	s1 =	sadd.s32 s1, s30  }
0xbd: {  	s0 =	sor.u32 s3, s0;
	s1 =	sshll.u32 s1, $0x11  }
0xbe: {  	s0 =	sor.u32 s1, s0  }
0xbf: {  	s0 =	sadd.s32 $0x8F2B, s0  }
0xc0: {  	[sflag:s0] =	ssyncadd.remote.s32 $0x1  }
0xc1: {  	_ =	sfence.sel $0xFFFF  }
0xc2: {  	[dreg:$0x0] =	wrdreg $0xFFFFFFFF;
	(pc) =	sbr.abs _section_cstart, $3  }
0xc3: {  	[dreg:$0x1] =	wrdreg $0xFFFFFFFF  }
0xc4: {  	_ =	task.clear_ibuf [dreg:s8], $0x2FFFF;
	_ =	strace $0x9FFFFFFF  }
0xc5: {  	(tm) =	ssettm $0x7FFFFFFF  }
tec
execute0_lowered:
.L_overlay_start_1:
0x0: {  	(tag) =	ssettag $0x1  }
0x1: {  	s0 =	rddreg [dreg:$0x0]  }
0x2: {  	s1 =	rddreg [dreg:$0x1]  }
0x3: {  	s2 =	rddreg [dreg:$0x3]  }
0x4: {  	s3 =	srdreg.scid;
	s9 =	stileid.u32;
	s12 =	simm.s32 $0x5  }
0x5: {  	s18 =	simm.s32 $0x1;
	s19 =	simm.s32 $0x200;
	s20 =	simm.s32 $0x600  }
0x6: {  	s21 =	simm.s32 $0xA00;
	s28 =	simm.s32 $0x1600;
	s29 =	simm.s32 $0x1A00  }
0x7: {  	s30 =	simm.s32 $0x1E00;
	s31 =	simm.s32 $0x2200;
	s14 =	simm.s32 $0x3200  }
0x8: {  	s15 =	simm.s32 $0x3600;
	s16 =	simm.s32 $0x3A00;
	s17 =	simm.s32 $0x3E00  }
0x9: {  	s5 =	sand.u32 $0x1, s3;
	s3 =	simm.s32 $0x0;
	s4 =	sshll.u32 s9, $0xA  }
0xa: {  	s22 =	sshll.u32 s9, $0x9;
	s9 =	sshll.u32 s9, $0x7;
	s6 =	sshll.u32 s5, $0x9  }
0xb: {  	[smem:$0x7FF] =	sst s3;
	s5 =	ssub.s32 $0x2, s5;
	s9 =	sand.u32 $0x380, s9  }
0xc: {  	s6 =	sor.u32 s6, s4;
	_ =	strace $0x80000047;
	s4 =	sadd.s32 $0x400, s1  }
0xd: {  	s8 =	sshrl.u32 s5, $0x1;
	s7 =	sshll.u32 s6, $0x4;
	s6 =	sshrl.u32 s6, $0x3  }
0xe: {  	s5 =	ssub.s32 s5, s8;
	s1 =	sadd.s32 s7, s1;
	s0 =	sadd.s32 s0, s6  }
0xf: {  	s7 =	sand.u32 $0x1000, s22;
	s24 =	smax.u32 s5, $0x1;
	[dreg:$0x5] =	wrdreg s0  }
0x10: {  	s2 =	sadd.s32 s7, s2;
	s1 =	sadd.s32 $0xF42800, s1;
	[dreg:$0x8] =	wrdreg s24  }
0x11: {  	s13 =	simm.s32 $0x0;
	s23 =	sadd.s32 s9, s2;
	[dreg:$0x7] =	wrdreg s1  }
0x12: {  	s22 =	simm.s32 $0xE00;
	s25 =	sadd.s32 $0x400, s23;
	[dreg:$0x6] =	wrdreg s23  }
0x13: {  	s24 =	simm.s32 $0x3;
	s26 =	sadd.s32 $0x800, s23;
	[dreg:$0x9] =	wrdreg s25  }
0x14: {  	s1 =	simm.s32 $0x2A00;
	s0 =	sadd.s32 $0xC00, s23;
	[dreg:$0xa] =	wrdreg s26  }
0x15: {  	s2 =	simm.s32 $0x2E00;
	s23 =	simm.s32 $0x2;
	[dreg:$0xb] =	wrdreg s0  }
0x16: {  	s25 =	simm.s32 $0x4;
	s26 =	simm.s32 $0x1200;
	s0 =	simm.s32 $0x2600  }
.LBB2_1:
0x17: {  	s5 =	rddreg [dreg:$0x5]  }
0x18: {  	[tilespmem:s3], [sflag:$0x5] =	stream.linear.gather [hbm4b:s5+s3], $0x200, $0x38;
	[tilespmem:$0x14480] =	vst v63  }
0x19: {  	_ =	swait.ge [sflag:s12], $0x200  }
0x1a: {  	s6 =	simm.s32 $0x80;
	[sflag:s12] =	ssyncset.done $0x0  }
0x1b: {  	s7 =	simm.s32 $0x400;
	s11 =	rddreg [dreg:$0x6];
	[sflag:s12] =	ssyncadd.s32 $0xFFFFFE00  }
0x1c: {  	[spmem:s11] =	stream.strided.scatter [tilespmem:s3], [sflag:$0x5], $0x200, s7, s6, $0x38;
	[tilespmem:$0x14480] =	vst v63  }
0x1d: {  	_ =	swait.ge [sflag:s12], $0x200  }
0x1e: {  	[sflag:s12] =	ssyncset.done $0x0  }
0x1f: {  	[sflag:s12] =	ssyncadd.s32 $0xFFFFFE00  }
0x20: {  	[smem:s3], [sflag:$0x5] =	stream.linear.gather [spmem:s11], $0x80, $0x38;
	[tilespmem:$0x14480] =	vst v63  }
0x21: {  	s5 =	rddreg [dreg:$0x9]  }
0x22: {  	[smem:s6], [sflag:$0x5] =	stream.linear.gather [spmem:s5], $0x80, $0x38;
	[tilespmem:$0x14480] =	vst v63  }
0x23: {  	s8 =	simm.s32 $0x100;
	s5 =	rddreg [dreg:$0xa]  }
0x24: {  	[smem:s8], [sflag:$0x5] =	stream.linear.gather [spmem:s5], $0x80, $0x38;
	[tilespmem:$0x14480] =	vst v63  }
0x25: {  	s9 =	simm.s32 $0x180;
	s5 =	rddreg [dreg:$0xb]  }
0x26: {  	[smem:s9], [sflag:$0x5] =	stream.linear.gather [spmem:s5], $0x80, $0x38;
	[tilespmem:$0x14480] =	vst v63  }
0x27: {  	_ =	swait.ge [sflag:s12], $0x200  }
0x28: {  	[sflag:s12] =	ssyncset.done $0x0  }
0x29: {  	[sflag:s12] =	ssyncadd.s32 $0xFFFFFE00  }
0x2a: {  	s11 =	simm.s32 $0x14200;
	s10 =	rddreg [dreg:$0x2]  }
0x2b: {  	[tilespmem:s11], [sflag:$0x5] =	stream.linear.gather [hbm4b:s10+s3], $0x80, $0x38;
	[tilespmem:$0x14480] =	vst v63  }
0x2c: {  	_ =	swait.ge [sflag:s12], $0x80  }
0x2d: {  	[sflag:s12] =	ssyncset.done $0x0  }
0x2e: {  	[sflag:s12] =	ssyncadd.s32 $0xFFFFFF80  }
0x2f: {  	s7 =	simm.s32 $0x0;
	s11 =	simm.s32 $0x4230;
	v0 =	vld [tilespmem:$0x14200]  }
.LBB2_2:
0x30: {  	s9 =	sshll.u32 s7, $0x4  }
0x31: {  	s5 =	sld [smem:s9+$0x0];
	_ =	sdelay $0x2  }
0x32: {  	s8 =	sshra.s32 s5, $0x1F  }
0x33: {  	s8 =	sshrl.u32 s8, $0x1D  }
0x34: {  	s8 =	sadd.s32 s8, s5  }
0x35: {  	s10 =	sand.u32 $0xFFFFFFF8, s8  }
0x36: {  	p0 =	slt.s32 s5, $0x1;
	p1 =	sne.s32 s5, s10  }
0x37: {  	p0 =	por !p0, !p1  }
0x38: {  	s10 =	simm.s32 $0x1;
	p0 =	por !p0, !p0  }
0x39: {  	s8 =	sshrl.u32 s8, $0x3;
	s5 =	sshll.u32 s5, $0x7;
	s10 =	simm.s32 @!p0 $0x0  }
0x3a: {  	s5 =	sadd.s32 $0x400, s5;
	s8 =	ssub.s32 s8, s10;
	s10 =	sor.u32 $0x1, s9  }
0x3b: {  	s5 =	sand.u32 $0x380, s5;
	s8 =	sshll.u32 s8, $0xA;
	s10 =	sld [smem:s10+$0x0]  }
0x3c: {  	s5 =	sor.u32 s5, s8  }
0x3d: {  	s5 =	sshrl.u32 s5, $0x3  }
0x3e: {  	s8 =	simm.s32 $0x0;
	s5 =	sadd.s32 s4, s5;
	s6 =	sshra.s32 s10, $0x1F  }
0x3f: {  	[tilespmem:s19], [sflag:$0x1] =	stream.linear.gather [hbm4b:s5+s8], $0x80, $0x38;
	[tilespmem:$0x14480] =	vst v63  }
0x40: {  	s5 =	sshrl.u32 s6, $0x1D  }
0x41: {  	s5 =	sadd.s32 s5, s10  }
0x42: {  	s6 =	sand.u32 $0xFFFFFFF8, s5  }
0x43: {  	p1 =	slt.s32 s10, $0x1;
	p2 =	sne.s32 s10, s6  }
0x44: {  	p0 =	por !p1, !p2  }
0x45: {  	s6 =	simm.s32 $0x1;
	p0 =	por !p0, !p0  }
0x46: {  	s5 =	sshrl.u32 s5, $0x3;
	s10 =	sshll.u32 s10, $0x7;
	s6 =	simm.s32 @!p0 $0x0  }
0x47: {  	s10 =	sadd.s32 $0x400, s10;
	s5 =	ssub.s32 s5, s6  }
0x48: {  	s6 =	sand.u32 $0x380, s10;
	s5 =	sshll.u32 s5, $0xA  }
0x49: {  	s10 =	sor.u32 $0x2, s9;
	s5 =	sor.u32 s6, s5  }
0x4a: {  	s6 =	sld [smem:s10+$0x0];
	s5 =	sshrl.u32 s5, $0x3  }
0x4b: {  	s5 =	sadd.s32 s4, s5  }
0x4c: {  	[tilespmem:s20], [sflag:$0x2] =	stream.linear.gather [hbm4b:s5+s8], $0x80, $0x38;
	[tilespmem:$0x14480] =	vst v63  }
0x4d: {  	s10 =	sshra.s32 s6, $0x1F  }
0x4e: {  	s5 =	sshrl.u32 s10, $0x1D  }
0x4f: {  	s5 =	sadd.s32 s5, s6  }
0x50: {  	s10 =	sand.u32 $0xFFFFFFF8, s5  }
0x51: {  	p3 =	slt.s32 s6, $0x1;
	p4 =	sne.s32 s6, s10  }
0x52: {  	p0 =	por !p3, !p4  }
0x53: {  	s10 =	simm.s32 $0x1;
	p0 =	por !p0, !p0  }
0x54: {  	s5 =	sshrl.u32 s5, $0x3;
	s6 =	sshll.u32 s6, $0x7;
	s10 =	simm.s32 @!p0 $0x0  }
0x55: {  	s6 =	sadd.s32 $0x400, s6;
	s5 =	ssub.s32 s5, s10  }
0x56: {  	s6 =	sand.u32 $0x380, s6;
	s5 =	sshll.u32 s5, $0xA  }
0x57: {  	s10 =	sor.u32 $0x3, s9;
	s5 =	sor.u32 s6, s5  }
0x58: {  	s6 =	sld [smem:s10+$0x0];
	s5 =	sshrl.u32 s5, $0x3  }
0x59: {  	s5 =	sadd.s32 s4, s5  }
0x5a: {  	[tilespmem:s21], [sflag:$0x3] =	stream.linear.gather [hbm4b:s5+s8], $0x80, $0x38;
	[tilespmem:$0x14480] =	vst v63  }
0x5b: {  	s10 =	sshra.s32 s6, $0x1F  }
0x5c: {  	s5 =	sshrl.u32 s10, $0x1D  }
0x5d: {  	s5 =	sadd.s32 s5, s6  }
0x5e: {  	s10 =	sand.u32 $0xFFFFFFF8, s5  }
0x5f: {  	p5 =	slt.s32 s6, $0x1;
	p6 =	sne.s32 s6, s10  }
0x60: {  	p0 =	por !p5, !p6  }
0x61: {  	s10 =	simm.s32 $0x1;
	p0 =	por !p0, !p0  }
0x62: {  	s5 =	sshrl.u32 s5, $0x3;
	s6 =	sshll.u32 s6, $0x7;
	s10 =	simm.s32 @!p0 $0x0  }
0x63: {  	s6 =	sadd.s32 $0x400, s6;
	s5 =	ssub.s32 s5, s10  }
0x64: {  	s6 =	sand.u32 $0x380, s6;
	s5 =	sshll.u32 s5, $0xA  }
0x65: {  	s5 =	sor.u32 s6, s5  }
0x66: {  	s5 =	sshrl.u32 s5, $0x3  }
0x67: {  	s5 =	sadd.s32 s4, s5  }
0x68: {  	[tilespmem:s22], [sflag:$0x4] =	stream.linear.gather [hbm4b:s5+s8], $0x80, $0x38;
	[tilespmem:$0x14480] =	vst v63  }
0x69: {  	_ =	swait.ge [sflag:s18], $0x80  }
0x6a: {  	[sflag:s18] =	ssyncset.done $0x0  }
0x6b: {  	[sflag:s18] =	ssyncadd.s32 $0xFFFFFF80  }
0x6c: {  	_ =	swait.ge [sflag:s23], $0x80  }
0x6d: {  	[sflag:s23] =	ssyncset.done $0x0  }
0x6e: {  	[sflag:s23] =	ssyncadd.s32 $0xFFFFFF80  }
0x6f: {  	_ =	swait.ge [sflag:s24], $0x80  }
0x70: {  	[sflag:s24] =	ssyncset.done $0x0  }
0x71: {  	[sflag:s24] =	ssyncadd.s32 $0xFFFFFF80  }
0x72: {  	_ =	swait.ge [sflag:s25], $0x80  }
0x73: {  	[sflag:s25] =	ssyncset.done $0x0  }
0x74: {  	s6 =	sor.u32 $0x4, s9;
	[sflag:s25] =	ssyncadd.s32 $0xFFFFFF80  }
0x75: {  	s5 =	sld [smem:s6+$0x0];
	_ =	sdelay $0x2  }
0x76: {  	s10 =	sshra.s32 s5, $0x1F  }
0x77: {  	s6 =	sshrl.u32 s10, $0x1D  }
0x78: {  	s6 =	sadd.s32 s6, s5  }
0x79: {  	s10 =	sand.u32 $0xFFFFFFF8, s6  }
0x7a: {  	p1 =	slt.s32 s5, $0x1;
	p2 =	sne.s32 s5, s10  }
0x7b: {  	p0 =	por !p1, !p2  }
0x7c: {  	s10 =	simm.s32 $0x1;
	p0 =	por !p0, !p0  }
0x7d: {  	s6 =	sshrl.u32 s6, $0x3;
	s5 =	sshll.u32 s5, $0x7;
	s10 =	simm.s32 @!p0 $0x0  }
0x7e: {  	s5 =	sadd.s32 $0x400, s5;
	s6 =	ssub.s32 s6, s10  }
0x7f: {  	s5 =	sand.u32 $0x380, s5;
	s6 =	sshll.u32 s6, $0xA  }
0x80: {  	s10 =	sor.u32 $0x5, s9;
	s5 =	sor.u32 s5, s6  }
0x81: {  	s6 =	sld [smem:s10+$0x0];
	s5 =	sshrl.u32 s5, $0x3  }
0x82: {  	s5 =	sadd.s32 s4, s5  }
0x83: {  	[tilespmem:s26], [sflag:$0x1] =	stream.linear.gather [hbm4b:s5+s8], $0x80, $0x38;
	[tilespmem:$0x14480] =	vst v63  }
0x84: {  	s10 =	sshra.s32 s6, $0x1F  }
0x85: {  	s5 =	sshrl.u32 s10, $0x1D  }
0x86: {  	s5 =	sadd.s32 s5, s6  }
0x87: {  	s10 =	sand.u32 $0xFFFFFFF8, s5  }
0x88: {  	p3 =	slt.s32 s6, $0x1;
	p4 =	sne.s32 s6, s10  }
0x89: {  	p0 =	por !p3, !p4  }
0x8a: {  	s10 =	simm.s32 $0x1;
	p0 =	por !p0, !p0  }
0x8b: {  	s5 =	sshrl.u32 s5, $0x3;
	s6 =	sshll.u32 s6, $0x7;
	s10 =	simm.s32 @!p0 $0x0  }
0x8c: {  	s6 =	sadd.s32 $0x400, s6;
	s5 =	ssub.s32 s5, s10  }
0x8d: {  	s6 =	sand.u32 $0x380, s6;
	s5 =	sshll.u32 s5, $0xA  }
0x8e: {  	s10 =	sor.u32 $0x6, s9;
	s5 =	sor.u32 s6, s5  }
0x8f: {  	s6 =	sld [smem:s10+$0x0];
	s5 =	sshrl.u32 s5, $0x3  }
0x90: {  	s5 =	sadd.s32 s4, s5  }
0x91: {  	[tilespmem:s28], [sflag:$0x2] =	stream.linear.gather [hbm4b:s5+s8], $0x80, $0x38;
	[tilespmem:$0x14480] =	vst v63  }
0x92: {  	s10 =	sshra.s32 s6, $0x1F  }
0x93: {  	s5 =	sshrl.u32 s10, $0x1D  }
0x94: {  	s5 =	sadd.s32 s5, s6  }
0x95: {  	s10 =	sand.u32 $0xFFFFFFF8, s5  }
0x96: {  	p5 =	slt.s32 s6, $0x1;
	p6 =	sne.s32 s6, s10  }
0x97: {  	p0 =	por !p5, !p6  }
0x98: {  	s10 =	simm.s32 $0x1;
	p0 =	por !p0, !p0  }
0x99: {  	s5 =	sshrl.u32 s5, $0x3;
	s6 =	sshll.u32 s6, $0x7;
	s10 =	simm.s32 @!p0 $0x0  }
0x9a: {  	s6 =	sadd.s32 $0x400, s6;
	s5 =	ssub.s32 s5, s10  }
0x9b: {  	s6 =	sand.u32 $0x380, s6;
	s5 =	sshll.u32 s5, $0xA  }
0x9c: {  	s10 =	sor.u32 $0x7, s9;
	s5 =	sor.u32 s6, s5  }
0x9d: {  	s6 =	sld [smem:s10+$0x0];
	s5 =	sshrl.u32 s5, $0x3  }
0x9e: {  	s5 =	sadd.s32 s4, s5  }
0x9f: {  	[tilespmem:s29], [sflag:$0x3] =	stream.linear.gather [hbm4b:s5+s8], $0x80, $0x38;
	[tilespmem:$0x14480] =	vst v63  }
0xa0: {  	s10 =	sshra.s32 s6, $0x1F  }
0xa1: {  	s5 =	sshrl.u32 s10, $0x1D  }
0xa2: {  	s5 =	sadd.s32 s5, s6  }
0xa3: {  	s10 =	sand.u32 $0xFFFFFFF8, s5  }
0xa4: {  	p1 =	slt.s32 s6, $0x1;
	p2 =	sne.s32 s6, s10  }
0xa5: {  	p0 =	por !p1, !p2  }
0xa6: {  	s10 =	simm.s32 $0x1;
	p0 =	por !p0, !p0  }
0xa7: {  	s5 =	sshrl.u32 s5, $0x3;
	s6 =	sshll.u32 s6, $0x7;
	s10 =	simm.s32 @!p0 $0x0  }
0xa8: {  	s6 =	sadd.s32 $0x400, s6;
	s5 =	ssub.s32 s5, s10  }
0xa9: {  	s6 =	sand.u32 $0x380, s6;
	s5 =	sshll.u32 s5, $0xA  }
0xaa: {  	s5 =	sor.u32 s6, s5  }
0xab: {  	s5 =	sshrl.u32 s5, $0x3  }
0xac: {  	s5 =	sadd.s32 s4, s5  }
0xad: {  	[tilespmem:s30], [sflag:$0x4] =	stream.linear.gather [hbm4b:s5+s8], $0x80, $0x38;
	[tilespmem:$0x14480] =	vst v63  }
0xae: {  	_ =	swait.ge [sflag:s18], $0x80  }
0xaf: {  	[sflag:s18] =	ssyncset.done $0x0  }
0xb0: {  	[sflag:s18] =	ssyncadd.s32 $0xFFFFFF80  }
0xb1: {  	_ =	swait.ge [sflag:s23], $0x80  }
0xb2: {  	[sflag:s23] =	ssyncset.done $0x0  }
0xb3: {  	[sflag:s23] =	ssyncadd.s32 $0xFFFFFF80  }
0xb4: {  	_ =	swait.ge [sflag:s24], $0x80  }
0xb5: {  	[sflag:s24] =	ssyncset.done $0x0  }
0xb6: {  	[sflag:s24] =	ssyncadd.s32 $0xFFFFFF80  }
0xb7: {  	_ =	swait.ge [sflag:s25], $0x80  }
0xb8: {  	[sflag:s25] =	ssyncset.done $0x0  }
0xb9: {  	s6 =	sor.u32 $0x8, s9;
	[sflag:s25] =	ssyncadd.s32 $0xFFFFFF80  }
0xba: {  	s5 =	sld [smem:s6+$0x0];
	_ =	sdelay $0x2  }
0xbb: {  	s10 =	sshra.s32 s5, $0x1F  }
0xbc: {  	s6 =	sshrl.u32 s10, $0x1D  }
0xbd: {  	s6 =	sadd.s32 s6, s5  }
0xbe: {  	s10 =	sand.u32 $0xFFFFFFF8, s6  }
0xbf: {  	p3 =	slt.s32 s5, $0x1;
	p4 =	sne.s32 s5, s10  }
0xc0: {  	p0 =	por !p3, !p4  }
0xc1: {  	s10 =	simm.s32 $0x1;
	p0 =	por !p0, !p0  }
0xc2: {  	s6 =	sshrl.u32 s6, $0x3;
	s5 =	sshll.u32 s5, $0x7;
	s10 =	simm.s32 @!p0 $0x0  }
0xc3: {  	s5 =	sadd.s32 $0x400, s5;
	s6 =	ssub.s32 s6, s10  }
0xc4: {  	s5 =	sand.u32 $0x380, s5;
	s6 =	sshll.u32 s6, $0xA  }
0xc5: {  	s10 =	sor.u32 $0x9, s9;
	s5 =	sor.u32 s5, s6  }
0xc6: {  	s6 =	sld [smem:s10+$0x0];
	s5 =	sshrl.u32 s5, $0x3  }
0xc7: {  	s5 =	sadd.s32 s4, s5  }
0xc8: {  	[tilespmem:s31], [sflag:$0x1] =	stream.linear.gather [hbm4b:s5+s8], $0x80, $0x38;
	[tilespmem:$0x14480] =	vst v63  }
0xc9: {  	s10 =	sshra.s32 s6, $0x1F  }
0xca: {  	s5 =	sshrl.u32 s10, $0x1D  }
0xcb: {  	s5 =	sadd.s32 s5, s6  }
0xcc: {  	s10 =	sand.u32 $0xFFFFFFF8, s5  }
0xcd: {  	p5 =	slt.s32 s6, $0x1;
	p6 =	sne.s32 s6, s10  }
0xce: {  	p0 =	por !p5, !p6  }
0xcf: {  	s10 =	simm.s32 $0x1;
	p0 =	por !p0, !p0  }
0xd0: {  	s5 =	sshrl.u32 s5, $0x3;
	s6 =	sshll.u32 s6, $0x7;
	s10 =	simm.s32 @!p0 $0x0  }
0xd1: {  	s6 =	sadd.s32 $0x400, s6;
	s5 =	ssub.s32 s5, s10  }
0xd2: {  	s6 =	sand.u32 $0x380, s6;
	s5 =	sshll.u32 s5, $0xA  }
0xd3: {  	s10 =	sor.u32 $0xA, s9;
	s5 =	sor.u32 s6, s5  }
0xd4: {  	s6 =	sld [smem:s10+$0x0];
	s5 =	sshrl.u32 s5, $0x3  }
0xd5: {  	s5 =	sadd.s32 s4, s5  }
0xd6: {  	[tilespmem:s0], [sflag:$0x2] =	stream.linear.gather [hbm4b:s5+s8], $0x80, $0x38;
	[tilespmem:$0x14480] =	vst v63  }
0xd7: {  	s10 =	sshra.s32 s6, $0x1F  }
0xd8: {  	s5 =	sshrl.u32 s10, $0x1D  }
0xd9: {  	s5 =	sadd.s32 s5, s6  }
0xda: {  	s10 =	sand.u32 $0xFFFFFFF8, s5  }
0xdb: {  	p1 =	slt.s32 s6, $0x1;
	p2 =	sne.s32 s6, s10  }
0xdc: {  	p0 =	por !p1, !p2  }
0xdd: {  	s10 =	simm.s32 $0x1;
	p0 =	por !p0, !p0  }
0xde: {  	s5 =	sshrl.u32 s5, $0x3;
	s6 =	sshll.u32 s6, $0x7;
	s10 =	simm.s32 @!p0 $0x0  }
0xdf: {  	s6 =	sadd.s32 $0x400, s6;
	s5 =	ssub.s32 s5, s10  }
0xe0: {  	s6 =	sand.u32 $0x380, s6;
	s5 =	sshll.u32 s5, $0xA  }
0xe1: {  	s10 =	sor.u32 $0xB, s9;
	s5 =	sor.u32 s6, s5  }
0xe2: {  	s6 =	sld [smem:s10+$0x0];
	s5 =	sshrl.u32 s5, $0x3  }
0xe3: {  	s5 =	sadd.s32 s4, s5  }
0xe4: {  	[tilespmem:s1], [sflag:$0x3] =	stream.linear.gather [hbm4b:s5+s8], $0x80, $0x38;
	[tilespmem:$0x14480] =	vst v63  }
0xe5: {  	s10 =	sshra.s32 s6, $0x1F  }
0xe6: {  	s5 =	sshrl.u32 s10, $0x1D  }
0xe7: {  	s5 =	sadd.s32 s5, s6  }
0xe8: {  	s10 =	sand.u32 $0xFFFFFFF8, s5  }
0xe9: {  	p3 =	slt.s32 s6, $0x1;
	p4 =	sne.s32 s6, s10  }
0xea: {  	p0 =	por !p3, !p4  }
0xeb: {  	s10 =	simm.s32 $0x1;
	p0 =	por !p0, !p0  }
0xec: {  	s5 =	sshrl.u32 s5, $0x3;
	s6 =	sshll.u32 s6, $0x7;
	s10 =	simm.s32 @!p0 $0x0  }
0xed: {  	s6 =	sadd.s32 $0x400, s6;
	s5 =	ssub.s32 s5, s10  }
0xee: {  	s6 =	sand.u32 $0x380, s6;
	s5 =	sshll.u32 s5, $0xA  }
0xef: {  	s5 =	sor.u32 s6, s5  }
0xf0: {  	s5 =	sshrl.u32 s5, $0x3  }
0xf1: {  	s5 =	sadd.s32 s4, s5  }
0xf2: {  	[tilespmem:s2], [sflag:$0x4] =	stream.linear.gather [hbm4b:s5+s8], $0x80, $0x38;
	[tilespmem:$0x14480] =	vst v63  }
0xf3: {  	_ =	swait.ge [sflag:s18], $0x80  }
0xf4: {  	[sflag:s18] =	ssyncset.done $0x0  }
0xf5: {  	[sflag:s18] =	ssyncadd.s32 $0xFFFFFF80  }
0xf6: {  	_ =	swait.ge [sflag:s23], $0x80  }
0xf7: {  	[sflag:s23] =	ssyncset.done $0x0  }
0xf8: {  	[sflag:s23] =	ssyncadd.s32 $0xFFFFFF80  }
0xf9: {  	_ =	swait.ge [sflag:s24], $0x80  }
0xfa: {  	[sflag:s24] =	ssyncset.done $0x0  }
0xfb: {  	[sflag:s24] =	ssyncadd.s32 $0xFFFFFF80  }
0xfc: {  	_ =	swait.ge [sflag:s25], $0x80  }
0xfd: {  	[sflag:s25] =	ssyncset.done $0x0  }
0xfe: {  	s6 =	sor.u32 $0xC, s9;
	[sflag:s25] =	ssyncadd.s32 $0xFFFFFF80  }
0xff: {  	s5 =	sld [smem:s6+$0x0];
	_ =	sdelay $0x2  }
0x100: {  	s10 =	sshra.s32 s5, $0x1F  }
0x101: {  	s6 =	sshrl.u32 s10, $0x1D  }
0x102: {  	s6 =	sadd.s32 s6, s5  }
0x103: {  	s10 =	sand.u32 $0xFFFFFFF8, s6  }
0x104: {  	p5 =	slt.s32 s5, $0x1;
	p6 =	sne.s32 s5, s10  }
0x105: {  	p0 =	por !p5, !p6  }
0x106: {  	s10 =	simm.s32 $0x1;
	p0 =	por !p0, !p0  }
0x107: {  	s6 =	sshrl.u32 s6, $0x3;
	s5 =	sshll.u32 s5, $0x7;
	s10 =	simm.s32 @!p0 $0x0  }
0x108: {  	s5 =	sadd.s32 $0x400, s5;
	s6 =	ssub.s32 s6, s10  }
0x109: {  	s5 =	sand.u32 $0x380, s5;
	s6 =	sshll.u32 s6, $0xA  }
0x10a: {  	s10 =	sor.u32 $0xD, s9;
	s5 =	sor.u32 s5, s6  }
0x10b: {  	s6 =	sld [smem:s10+$0x0];
	s5 =	sshrl.u32 s5, $0x3  }
0x10c: {  	s5 =	sadd.s32 s4, s5  }
0x10d: {  	[tilespmem:s14], [sflag:$0x1] =	stream.linear.gather [hbm4b:s5+s8], $0x80, $0x38;
	[tilespmem:$0x14480] =	vst v63  }
0x10e: {  	s10 =	sshra.s32 s6, $0x1F  }
0x10f: {  	s5 =	sshrl.u32 s10, $0x1D  }
0x110: {  	s5 =	sadd.s32 s5, s6  }
0x111: {  	s10 =	sand.u32 $0xFFFFFFF8, s5  }
0x112: {  	p1 =	slt.s32 s6, $0x1;
	p2 =	sne.s32 s6, s10  }
0x113: {  	p0 =	por !p1, !p2  }
0x114: {  	s10 =	simm.s32 $0x1;
	p0 =	por !p0, !p0  }
0x115: {  	s5 =	sshrl.u32 s5, $0x3;
	s6 =	sshll.u32 s6, $0x7;
	s10 =	simm.s32 @!p0 $0x0  }
0x116: {  	s6 =	sadd.s32 $0x400, s6;
	s5 =	ssub.s32 s5, s10  }
0x117: {  	s6 =	sand.u32 $0x380, s6;
	s5 =	sshll.u32 s5, $0xA  }
0x118: {  	s10 =	sor.u32 $0xE, s9;
	s5 =	sor.u32 s6, s5  }
0x119: {  	s6 =	sld [smem:s10+$0x0];
	s5 =	sshrl.u32 s5, $0x3  }
0x11a: {  	s5 =	sadd.s32 s4, s5  }
0x11b: {  	[tilespmem:s15], [sflag:$0x2] =	stream.linear.gather [hbm4b:s5+s8], $0x80, $0x38;
	[tilespmem:$0x14480] =	vst v63  }
0x11c: {  	s9 =	sshra.s32 s6, $0x1F  }
0x11d: {  	s5 =	sshrl.u32 s9, $0x1D  }
0x11e: {  	s5 =	sadd.s32 s5, s6  }
0x11f: {  	s10 =	sand.u32 $0xFFFFFFF8, s5  }
0x120: {  	p3 =	slt.s32 s6, $0x1;
	p4 =	sne.s32 s6, s10  }
0x121: {  	p0 =	por !p3, !p4  }
0x122: {  	s9 =	simm.s32 $0x1;
	p0 =	por !p0, !p0  }
0x123: {  	s5 =	sshrl.u32 s5, $0x3;
	s6 =	sshll.u32 s6, $0x7;
	s9 =	simm.s32 @!p0 $0x0  }
0x124: {  	s6 =	sadd.s32 $0x400, s6;
	s5 =	ssub.s32 s5, s9  }
0x125: {  	s6 =	sand.u32 $0x380, s6;
	s5 =	sshll.u32 s5, $0xA  }
0x126: {  	s10 =	sshllo.u32 s7, $0x4;
	s5 =	sor.u32 s6, s5  }
0x127: {  	s6 =	sld [smem:s10+$0x0];
	s5 =	sshrl.u32 s5, $0x3  }
0x128: {  	s5 =	sadd.s32 s4, s5  }
0x129: {  	[tilespmem:s16], [sflag:$0x3] =	stream.linear.gather [hbm4b:s5+s8], $0x80, $0x38;
	[tilespmem:$0x14480] =	vst v63  }
0x12a: {  	s9 =	sshra.s32 s6, $0x1F  }
0x12b: {  	s5 =	sshrl.u32 s9, $0x1D  }
0x12c: {  	s5 =	sadd.s32 s5, s6  }
0x12d: {  	s10 =	sand.u32 $0xFFFFFFF8, s5  }
0x12e: {  	p5 =	slt.s32 s6, $0x1;
	p6 =	sne.s32 s6, s10  }
0x12f: {  	p0 =	por !p5, !p6  }
0x130: {  	s9 =	simm.s32 $0x1;
	p0 =	por !p0, !p0  }
0x131: {  	s5 =	sshrl.u32 s5, $0x3;
	s6 =	sshll.u32 s6, $0x7;
	s9 =	simm.s32 @!p0 $0x0  }
0x132: {  	s6 =	sadd.s32 $0x400, s6;
	s5 =	ssub.s32 s5, s9  }
0x133: {  	s6 =	sand.u32 $0x380, s6;
	s5 =	sshll.u32 s5, $0xA  }
0x134: {  	s5 =	sor.u32 s6, s5  }
0x135: {  	s5 =	sshrl.u32 s5, $0x3  }
0x136: {  	s5 =	sadd.s32 s4, s5  }
0x137: {  	[tilespmem:s17], [sflag:$0x4] =	stream.linear.gather [hbm4b:s5+s8], $0x80, $0x38;
	[tilespmem:$0x14480] =	vst v63  }
0x138: {  	_ =	swait.ge [sflag:s18], $0x80  }
0x139: {  	[sflag:s18] =	ssyncset.done $0x0  }
0x13a: {  	[sflag:s18] =	ssyncadd.s32 $0xFFFFFF80  }
0x13b: {  	_ =	swait.ge [sflag:s23], $0x80  }
0x13c: {  	[sflag:s23] =	ssyncset.done $0x0  }
0x13d: {  	[sflag:s23] =	ssyncadd.s32 $0xFFFFFF80  }
0x13e: {  	_ =	swait.ge [sflag:s24], $0x80  }
0x13f: {  	[sflag:s24] =	ssyncset.done $0x0  }
0x140: {  	[sflag:s24] =	ssyncadd.s32 $0xFFFFFF80  }
0x141: {  	_ =	swait.ge [sflag:s25], $0x80  }
0x142: {  	[sflag:s25] =	ssyncset.done $0x0  }
0x143: {  	[sflag:s25] =	ssyncadd.s32 $0xFFFFFF80  }
0x144: {  	s10 =	simm.s32 $0x0;
	[tilespmem:s11+$0x0] =	vst v0  }
0x145: {  	v1 =	vld [tilespmem:s10+$0x200];
	_ =	sdelay $0x4  }
0x146: {  	[tilespmem:s11+$0xFFFFFFD0] =	vst v1  }
0x147: {  	v1 =	vld [tilespmem:s10+$0x210];
	_ =	sdelay $0x4  }
0x148: {  	[tilespmem:s11+$0xFFFFFFE0] =	vst v1  }
0x149: {  	v1 =	vld [tilespmem:s10+$0x220];
	_ =	sdelay $0x4  }
0x14a: {  	[tilespmem:s11+$0xFFFFFFF0] =	vst v1  }
0x14b: {  	s8 =	sadd.s32 $0x80, s11;
	v1 =	vld [tilespmem:s10+$0x228]  }
0x14c: {  	s9 =	simm.s32 $0x1000;
	s5 =	smov.u32 s11;
	s10 =	simm.s32 $0x2000;
	[tilespmem:s8+$0x0] =	vst v0  }
.LBB2_3:
0x14d: {  	_ =	sdelay $0x1  }
0x14e: {  	p0 =	sne.s32 s10, $0xF000;
	s6 =	sshra.s32 s9, $0x2  }
0x14f: {  	s9 =	smov.u32 s10;
	s10 =	sadd.s32 $0x1000, s10;
	[tilespmem:s5+$0xFFFFFFF8] =	vst v1;
	s5 =	smov.u32 s8  }
0x150: {  	v1 =	vld [tilespmem:s6+$0x200];
	_ =	sdelay $0x4  }
0x151: {  	[tilespmem:s8+$0xFFFFFFD0] =	vst v1  }
0x152: {  	v1 =	vld [tilespmem:s6+$0x210];
	_ =	sdelay $0x4  }
0x153: {  	[tilespmem:s8+$0xFFFFFFE0] =	vst v1  }
0x154: {  	v1 =	vld [tilespmem:s6+$0x220];
	_ =	sdelay $0x2  }
.Ltmp0:
0x155: {  	(pc) =	sbr.rel @p0 .LBB2_3-.Ltmp0, $4  }
0x156: {  	_ = 	snop  }
0x157: {  	[tilespmem:s8+$0xFFFFFFF0] =	vst v1  }
0x158: {  	s8 =	sadd.s32 $0x80, s8;
	v1 =	vld [tilespmem:s6+$0x228]  }
0x159: {  	[tilespmem:s8+$0x0] =	vst v0  }
0x15a: {  	_ =	sdelay $0x2  }
0x15b: {  	s6 =	sshra.s32 s9, $0x2;
	[tilespmem:s5+$0xFFFFFFF8] =	vst v1  }
0x15c: {  	v1 =	vld [tilespmem:s6+$0x200];
	_ =	sdelay $0x4  }
0x15d: {  	[tilespmem:s8+$0xFFFFFFD0] =	vst v1  }
0x15e: {  	v1 =	vld [tilespmem:s6+$0x210];
	_ =	sdelay $0x4  }
0x15f: {  	[tilespmem:s8+$0xFFFFFFE0] =	vst v1  }
0x160: {  	v1 =	vld [tilespmem:s6+$0x220];
	_ =	sdelay $0x4  }
0x161: {  	s7 =	sadd.s32 $0x1, s7;
	[tilespmem:s8+$0xFFFFFFF0] =	vst v1  }
0x162: {  	p0 =	sne.s32 s7, $0x20;
	v1 =	vld [tilespmem:s6+$0x228]  }
.Ltmp1:
0x163: {  	_ = 	snop;
	(pc) =	sbr.rel @p0 .LBB2_2-.Ltmp1, $2  }
0x164: {  	_ =	sdelay $0x2  }
0x165: {  	s11 =	sadd.s32 $0x800, s11;
	[tilespmem:s8+$0xFFFFFFF8] =	vst v1  }
0x166: {  	s5 =	rddreg [dreg:$0x7];
	s6 =	simm.s32 $0x4200  }
0x167: {  	[hbm4b:s5+s3] =	stream.linear.scatter [tilespmem:s6], [sflag:$0x5], $0x10000, $0x38;
	[tilespmem:$0x14480] =	vst v63  }
0x168: {  	_ =	swait.ge [sflag:s12], $0x10000  }
0x169: {  	s13 =	sadd.s32 $0x1, s13;
	s11 =	rddreg [dreg:$0x8]  }
0x16a: {  	p0 =	sne.s32 s13, s11  }
.Ltmp2:
0x16b: {  	_ = 	snop;
	(pc) =	sbr.rel @p0 .LBB2_1-.Ltmp2, $3  }
0x16c: {  	_ =	sdelay $0x1  }
0x16d: {  	[sflag:s12] =	ssyncset.done $0x0  }
0x16e: {  	[sflag:s12] =	ssyncadd.s32 $0xFFFF0000  }
0x16f: {  	_ =	sfence.sel $0x180000  }
0x170: {  	[bflag:$0x0] =	sbarrier.arrive $0xFFFF  }
0x171: {  	_ =	strace $0x90000047  }
0x172: {  	s0 =	stileid.u32;
	[bflag:$0x2] =	sbarrier.arrive $0xFFFF  }
0x173: {  	p0 =	sne.s32 s0, $0x0;
	s0 =	rddreg [dreg:$0x4]  }
0x174: {  	s0 =	sadd.s32 @!p0 $0x100000, s0  }
0x175: {  	[sflag:s0] =	ssyncadd.tile.s32 @!p0 $0x1;
	_ =	shalt  }
.Lfunc_end2:
_tile_overlayer_lowered:
.L_overlay_start_2:
0x176: {  	(tag) =	ssettag $0x2  }
0x177: {  	s0 =	rddreg [dreg:$0x0];
	s2 =	stileid.u32  }
0x178: {  	s1 =	rddreg [dreg:$0x1];
	p0 =	sne.s32 s2, $0x0  }
0x179: {  	s3 =	rddreg [dreg:$0x2];
	[bflag:$0x3] =	sbarrier.arrive $0xFFFF;
	s2 =	simm.s32 @!p0 $0x1C05  }
0x17a: {  	[timem:s3], [sflag:s2] =	dma.local @!p0 [hbm:s0], s1  }
0x17b: {  	s0 =	simm.s32 @!p0 $0x5  }
0x17c: {  	_ =	swait.ge @!p0 [sflag:s0], s1  }
0x17d: {  	s1 =	ssub.s32 @!p0 $0x0, s1;
	[sflag:s0] =	ssyncset.done @!p0 $0x0  }
0x17e: {  	[sflag:s0] =	ssyncadd.s32 @!p0 s1  }
0x17f: {  	[bflag:$0x3] =	sbarrier.arrive $0xFFFF  }
0x180: {  	_ =	shalt  }

</sc_bundles>
